<compile_context>
chip_gen: v7x
topology: tpu7x:2x2x1
jax: 0.10.2.dev20260603
libtpu: 0.0.44.dev20260713+nightly
codegen_flags: <defaults>
</compile_context>

<pallas_src>
import functools

import jax
import jax.numpy as jnp
from jax import lax
from jax.experimental import pallas as pl
from jax.experimental.pallas import tpu as pltpu
from jax.experimental.pallas import tpu_sc as plsc

N = 10000
D = 128
H = 64
NC = 2
NS = 16
NW = NC * NS
CHUNK = 128
NCHUNKS = 160
GB = 16
EDGES_PER_TILE = NCHUNKS * CHUNK
E_PAD = NS * EDGES_PER_TILE
ROWS_PER_TILE = 632
NP = NS * ROWS_PER_TILE


def _sc_aggregate(xs, src_r, dst_r, zsum):
    mesh = plsc.VectorSubcoreMesh(core_axis_name="c", subcore_axis_name="s")

    @functools.partial(
        pl.kernel,
        mesh=mesh,
        compiler_params=pltpu.CompilerParams(needs_layout_passes=False,
                                             use_tc_tiling_on_sc=False),
        out_type=(
            jax.ShapeDtypeStruct((NC, NP, H), jnp.float32),
            jax.ShapeDtypeStruct((NW, NP), jnp.float32),
        ),
        scratch_types=[
            pltpu.VMEM_SHARED((NP, H), jnp.float32),
            pltpu.VMEM_SHARED((NP, H), jnp.float32),
            pltpu.VMEM((GB, CHUNK), jnp.int32),
            pltpu.VMEM((GB, CHUNK), jnp.int32),
            pltpu.VMEM((CHUNK, H), jnp.float32),
            pltpu.VMEM((CHUNK, H), jnp.float32),
            pltpu.VMEM((CHUNK, H), jnp.float32),
            pltpu.VMEM((CHUNK, H), jnp.float32),
            pltpu.VMEM((NP,), jnp.float32),
            pltpu.SemaphoreType.DMA,
            pltpu.SemaphoreType.DMA,
            pltpu.SemaphoreType.DMA,
            pltpu.SemaphoreType.DMA,
            pltpu.SemaphoreType.DMA,
            pltpu.SemaphoreType.DMA,
            pltpu.SemaphoreType.DMA,
            pltpu.SemaphoreType.DMA,
        ],
    )
    def k(xs_hbm, src_hbm, dst_hbm, zsum_hbm, sum_out, cnt_out,
          xsp, accum, src_v, dst_v, rows_v0, rows_v1, rows_v2, rows_v3, cnt_v,
          gsem0, gsem1, gsem2, gsem3, ssem0, ssem1, ssem2, ssem3):
        c = lax.axis_index("c")
        s = lax.axis_index("s")
        wid = c * NS + s
        rows_slice = pl.ds(s * ROWS_PER_TILE, ROWS_PER_TILE)
        pltpu.sync_copy(xs_hbm.at[c].at[rows_slice], xsp.at[rows_slice])
        pltpu.sync_copy(zsum_hbm.at[rows_slice], accum.at[rows_slice])
        zero16 = jnp.zeros((16,), jnp.float32)
        ones16 = jnp.ones((16,), jnp.float32)

        def zbody(i, carry):
            cnt_v[pl.ds(i * 16, 16)] = zero16
            return carry

        lax.fori_loop(0, NP // 16, zbody, 0)
        plsc.subcore_barrier()

        def outer(g, carry):
            goff = pl.multiple_of(g * GB, GB)
            pltpu.sync_copy(src_hbm.at[s].at[pl.ds(goff, GB)], src_v)
            pltpu.sync_copy(dst_hbm.at[s].at[pl.ds(goff, GB)], dst_v)

            NBUF = 4
            rows = (rows_v0, rows_v1, rows_v2, rows_v3)
            gsem = (gsem0, gsem1, gsem2, gsem3)
            ssem = (ssem0, ssem1, ssem2, ssem3)
            gath = [None] * NBUF
            scat = [None] * NBUF
            for j in range(NBUF - 1):
                gath[j] = pltpu.async_copy(
                    xsp.at[src_v.at[j]], rows[j], gsem[j])
            for j in range(GB):
                b = j % NBUF
                if j + NBUF - 1 < GB:
                    o = (j + NBUF - 1) % NBUF
                    if scat[o] is not None:
                        scat[o].wait()
                        scat[o] = None
                    gath[o] = pltpu.async_copy(
                        xsp.at[src_v.at[j + NBUF - 1]], rows[o], gsem[o])
                gath[b].wait()
                scat[b] = pltpu.async_copy(
                    rows[b], accum.at[dst_v.at[j]], ssem[b], add=True)

                def cbody(m, carry2, _j=j):
                    vals = dst_v[_j, pl.ds(m * 16, 16)]
                    plsc.addupdate_scatter(cnt_v, [vals], ones16)
                    return carry2

                lax.fori_loop(0, CHUNK // 16, cbody, 0)
            for b in range(NBUF):
                if scat[b] is not None:
                    scat[b].wait()
            return carry

        lax.fori_loop(0, NCHUNKS // GB, outer, 0)
        plsc.subcore_barrier()
        pltpu.sync_copy(accum.at[rows_slice], sum_out.at[c].at[rows_slice])
        pltpu.sync_copy(cnt_v, cnt_out.at[wid])

    return k(xs, src_r, dst_r, zsum)


def _tc_combine(x, w1, w2, sp, cp):
    R = 1000

    def body(x_ref, w1_ref, w2_ref, sp_ref, cp_ref, o_ref):
        ssum = sp_ref[...]
        cnt = 0.5 * jnp.sum(cp_ref[...], axis=1, keepdims=True)
        xb = x_ref[...]
        cnt = jnp.maximum(cnt, 1.0)
        mean = ssum / cnt
        o_ref[...] = (
            jnp.dot(xb, w1_ref[...], preferred_element_type=jnp.float32)
            + jnp.dot(mean, w2_ref[...], preferred_element_type=jnp.float32))

    return pl.pallas_call(
        body,
        grid=(N // R,),
        in_specs=[
            pl.BlockSpec((R, D), lambda j: (j, 0)),
            pl.BlockSpec((D, D), lambda j: (0, 0)),
            pl.BlockSpec((D, D), lambda j: (0, 0)),
            pl.BlockSpec((R, D), lambda j: (j, 0)),
            pl.BlockSpec((R, NW), lambda j: (j, 0)),
        ],
        out_specs=pl.BlockSpec((R, D), lambda j: (j, 0)),
        out_shape=jax.ShapeDtypeStruct((N, D), jnp.float32),
    )(x, w1, w2, sp, cp)


def kernel(x, edge_index, weight):
    src = edge_index[0]
    dst = edge_index[1]
    e = src.shape[0]
    pad = E_PAD - e
    trash = N + (jnp.arange(pad, dtype=jnp.int32) % (NP - N))
    src_p = jnp.concatenate([src, jnp.zeros((pad,), jnp.int32)])
    dst_p = jnp.concatenate([dst, trash])
    src_r = src_p.reshape(NS, NCHUNKS, CHUNK)
    dst_r = dst_p.reshape(NS, NCHUNKS, CHUNK)
    xs = jnp.pad(x, ((0, NP - N), (0, 0))).reshape(NP, NC, H).transpose(1, 0, 2)
    zsum = jnp.zeros((NP, H), jnp.float32)
    sp_halves, cnt_parts = _sc_aggregate(xs, src_r, dst_r, zsum)
    sp = jnp.concatenate([sp_halves[0, :N], sp_halves[1, :N]], axis=-1)
    cp = cnt_parts[:, :N].T
    w1 = weight[:D]
    w2 = weight[D:]
    return _tc_combine(x, w1, w2, sp, cp)

# --- scband reference (transcript-rebuilt; emitter-appended) ---
"""Pipeline reference for scband-sageinit-conv-68281390072361 (READ-ONLY COPY).

The authoritative reference and input builder live on the scoring server;
editing this copy changes nothing except your own understanding.
"""

import jax, jax.numpy as jnp
import numpy as np

N = 10000
E = 320000
D_IN = 128
D_OUT = 128


def setup_inputs(seed: int = 0) -> dict:
    key = jax.random.key(seed)
    k1, k2, k3 = jax.random.split(key, 3)
    x = jax.random.normal(k1, (N, D_IN), dtype=jnp.float32)
    edge_index = jax.random.randint(k2, (2, E), 0, N, dtype=jnp.int32)
    # SAGEConvLayer with concat=True -> weight shape [2*in_channels, out_channels], glorot init
    fan_in, fan_out = 2 * D_IN, D_OUT
    limit = float(np.sqrt(6.0 / (fan_in + fan_out)))
    weight = jax.random.uniform(k3, (2 * D_IN, D_OUT), dtype=jnp.float32, minval=-limit, maxval=limit)
    return {"x": x, "edge_index": edge_index, "weight": weight}


def reference(x, edge_index, weight):
    # concat=True and x is a tensor -> NO self-loops are added (see forward())
    src = edge_index[0]
    dst = edge_index[1]
    # message: x_j (edge_weight is None)
    msgs = jnp.take(x, src, axis=0)
    # aggr='mean': scatter-add messages by dst, divide by in-degree
    summed = jax.ops.segment_sum(msgs, dst, num_segments=N)
    cnt = jax.ops.segment_sum(jnp.ones((E,), dtype=x.dtype), dst, num_segments=N)
    mean = summed / jnp.clip(cnt, 1.0, None)[:, None]
    # update: concat [x, aggr_out], then matmul with weight; bias=False, normalize=False
    h = jnp.concatenate([x, mean], axis=-1)
    out = jnp.matmul(h, weight)
    return out

if __name__ == "__main__":
    import jax
    _d = setup_inputs()
    print(jax.jit(kernel)(*tuple(_d.values())))

</pallas_src>

<mosaic_0001>
#map = affine_map<(d0, d1) -> (0, 0, 0)>
#map1 = affine_map<(d0, d1) -> (0, 0)>
module attributes {stable_mosaic.version = 14 : i64} {
  func.func @k(%arg0: i32, %arg1: i32, %arg2: memref<2x10112x64xf32, #tpu.memory_space<hbm>>, %arg3: memref<16x160x128xi32, #tpu.memory_space<hbm>>, %arg4: memref<16x160x128xi32, #tpu.memory_space<hbm>>, %arg5: memref<10112x64xf32, #tpu.memory_space<hbm>>, %arg6: memref<2x10112x64xf32, #tpu.memory_space<hbm>>, %arg7: memref<32x10112xf32, #tpu.memory_space<hbm>>, %arg8: memref<10112x64xf32, #tpu.memory_space<vmem_shared>>, %arg9: memref<10112x64xf32, #tpu.memory_space<vmem_shared>>, %arg10: memref<16x128xi32, #tpu.memory_space<vmem>>, %arg11: memref<16x128xi32, #tpu.memory_space<vmem>>, %arg12: memref<128x64xf32, #tpu.memory_space<vmem>>, %arg13: memref<128x64xf32, #tpu.memory_space<vmem>>, %arg14: memref<128x64xf32, #tpu.memory_space<vmem>>, %arg15: memref<128x64xf32, #tpu.memory_space<vmem>>, %arg16: memref<10112xf32, #tpu.memory_space<vmem>>, %arg17: memref<!tpu.dma_semaphore, #tpu.memory_space<semaphore_mem>>, %arg18: memref<!tpu.dma_semaphore, #tpu.memory_space<semaphore_mem>>, %arg19: memref<!tpu.dma_semaphore, #tpu.memory_space<semaphore_mem>>, %arg20: memref<!tpu.dma_semaphore, #tpu.memory_space<semaphore_mem>>, %arg21: memref<!tpu.dma_semaphore, #tpu.memory_space<semaphore_mem>>, %arg22: memref<!tpu.dma_semaphore, #tpu.memory_space<semaphore_mem>>, %arg23: memref<!tpu.dma_semaphore, #tpu.memory_space<semaphore_mem>>, %arg24: memref<!tpu.dma_semaphore, #tpu.memory_space<semaphore_mem>>) attributes {dimension_semantics = [#tpu.dimension_semantics<core_parallel>, #tpu.dimension_semantics<subcore_parallel>], iteration_bounds = array<i64: 2, 16>, scalar_prefetch = 0 : i64, scratch_operands = 17 : i64, tpu.core_type = #tpu.core_type<sc_vector_subcore>, window_params = [{transform_indices = #map}, {transform_indices = #map}, {transform_indices = #map}, {transform_indices = #map1}, {transform_indices = #map}, {transform_indices = #map1}]} {
    %mul3A = arith.constant 16 : i32
    %mul3A_0 = arith.muli %arg0, %mul3A : i32
    %add3A = arith.addi %mul3A_0, %arg1 : i32
    %mul3A_1 = arith.constant 632 : i32
    %mul3A_2 = arith.muli %arg1, %mul3A_1 : i32
    "tpu.region"() ({
      %run_scoped3A = tpu.sem_alloc : memref<!tpu.dma_semaphore, #tpu.memory_space<semaphore_mem>>
      %dma_start3A = arith.constant 0 : i32
      %dma_start3A_18 = tpu.memref_slice %arg8[%mul3A_2, %dma_start3A] : memref<10112x64xf32, #tpu.memory_space<vmem_shared>> -> memref<632x64xf32, #tpu.memory_space<vmem_shared>>
      %dma_start3A_19 = arith.constant 0 : i32
      %dma_start3A_20 = arith.constant 0 : i32
      %dma_start3A_21 = tpu.memref_slice %arg2[%arg0, %dma_start3A_19, %dma_start3A_20] : memref<2x10112x64xf32, #tpu.memory_space<hbm>> -> memref<1x10112x64xf32, #tpu.memory_space<hbm>>
      %dma_start3A_22 = tpu.memref_squeeze %dma_start3A_21 : memref<1x10112x64xf32, #tpu.memory_space<hbm>> -> memref<10112x64xf32, #tpu.memory_space<hbm>>
      %dma_start3A_23 = arith.constant 0 : i32
      %dma_start3A_24 = tpu.memref_slice %dma_start3A_22[%mul3A_2, %dma_start3A_23] : memref<10112x64xf32, #tpu.memory_space<hbm>> -> memref<632x64xf32, #tpu.memory_space<hbm>>
      tpu.enqueue_dma source(%dma_start3A_24 : memref<632x64xf32, #tpu.memory_space<hbm>>) target(%dma_start3A_18 : memref<632x64xf32, #tpu.memory_space<vmem_shared>>) target_semaphore(%run_scoped3A : memref<!tpu.dma_semaphore, #tpu.memory_space<semaphore_mem>>)
      %dma_wait3A = arith.constant 0 : i32
      %dma_wait3A_25 = tpu.memref_slice %arg8[%mul3A_2, %dma_wait3A] : memref<10112x64xf32, #tpu.memory_space<vmem_shared>> -> memref<632x64xf32, #tpu.memory_space<vmem_shared>>
      %dma_wait3A_26 = arith.constant 0 : i32
      %dma_wait3A_27 = arith.constant 0 : i32
      %dma_wait3A_28 = tpu.memref_slice %arg2[%arg0, %dma_wait3A_26, %dma_wait3A_27] : memref<2x10112x64xf32, #tpu.memory_space<hbm>> -> memref<1x10112x64xf32, #tpu.memory_space<hbm>>
      %dma_wait3A_29 = tpu.memref_squeeze %dma_wait3A_28 : memref<1x10112x64xf32, #tpu.memory_space<hbm>> -> memref<10112x64xf32, #tpu.memory_space<hbm>>
      %dma_wait3A_30 = arith.constant 0 : i32
      %dma_wait3A_31 = tpu.memref_slice %dma_wait3A_29[%mul3A_2, %dma_wait3A_30] : memref<10112x64xf32, #tpu.memory_space<hbm>> -> memref<632x64xf32, #tpu.memory_space<hbm>>
      tpu.wait_dma2 semaphore(%run_scoped3A : memref<!tpu.dma_semaphore, #tpu.memory_space<semaphore_mem>>) src(%dma_wait3A_31 : memref<632x64xf32, #tpu.memory_space<hbm>>) dst(%dma_wait3A_25 : memref<632x64xf32, #tpu.memory_space<vmem_shared>>)
      tpu.yield
    }) : () -> ()
    "tpu.region"() ({
      %run_scoped3A = tpu.sem_alloc : memref<!tpu.dma_semaphore, #tpu.memory_space<semaphore_mem>>
      %dma_start3A = arith.constant 0 : i32
      %dma_start3A_18 = tpu.memref_slice %arg9[%mul3A_2, %dma_start3A] : memref<10112x64xf32, #tpu.memory_space<vmem_shared>> -> memref<632x64xf32, #tpu.memory_space<vmem_shared>>
      %dma_start3A_19 = arith.constant 0 : i32
      %dma_start3A_20 = tpu.memref_slice %arg5[%mul3A_2, %dma_start3A_19] : memref<10112x64xf32, #tpu.memory_space<hbm>> -> memref<632x64xf32, #tpu.memory_space<hbm>>
      tpu.enqueue_dma source(%dma_start3A_20 : memref<632x64xf32, #tpu.memory_space<hbm>>) target(%dma_start3A_18 : memref<632x64xf32, #tpu.memory_space<vmem_shared>>) target_semaphore(%run_scoped3A : memref<!tpu.dma_semaphore, #tpu.memory_space<semaphore_mem>>)
      %dma_wait3A = arith.constant 0 : i32
      %dma_wait3A_21 = tpu.memref_slice %arg9[%mul3A_2, %dma_wait3A] : memref<10112x64xf32, #tpu.memory_space<vmem_shared>> -> memref<632x64xf32, #tpu.memory_space<vmem_shared>>
      %dma_wait3A_22 = arith.constant 0 : i32
      %dma_wait3A_23 = tpu.memref_slice %arg5[%mul3A_2, %dma_wait3A_22] : memref<10112x64xf32, #tpu.memory_space<hbm>> -> memref<632x64xf32, #tpu.memory_space<hbm>>
      tpu.wait_dma2 semaphore(%run_scoped3A : memref<!tpu.dma_semaphore, #tpu.memory_space<semaphore_mem>>) src(%dma_wait3A_23 : memref<632x64xf32, #tpu.memory_space<hbm>>) dst(%dma_wait3A_21 : memref<632x64xf32, #tpu.memory_space<vmem_shared>>)
      tpu.yield
    }) : () -> ()
    %broadcast_in_dim3A = arith.constant 0.000000e+00 : f32
    %broadcast_in_dim3A_3 = vector.broadcast %broadcast_in_dim3A : f32 to vector<16xf32>
    %broadcast_in_dim3A_4 = arith.constant 1.000000e+00 : f32
    %broadcast_in_dim3A_5 = vector.broadcast %broadcast_in_dim3A_4 : f32 to vector<16xf32>
    %scan3A = arith.constant 0 : i32
    %scan3A_6 = arith.constant 0 : i32
    %scan3A_7 = arith.constant 632 : i32
    %scan3A_8 = arith.addi %scan3A_6, %scan3A_7 : i32
    %scan3A_9 = arith.constant 1 : i32
    scf.for %scan3A_18 = %scan3A_6 to %scan3A_8 step %scan3A_9  : i32 {
      %mul3A_19 = arith.constant 16 : i32
      %mul3A_20 = arith.muli %scan3A_18, %mul3A_19 : i32
      %swap3A = arith.index_cast %mul3A_20 : i32 to index
      %swap3A_21 = tpu.vector_load %arg16[%swap3A] {strides = array<i32>} : memref<10112xf32, #tpu.memory_space<vmem>>, vector<16xf32>,
      tpu.vector_store %arg16[%swap3A], %broadcast_in_dim3A_3 {strides = array<i32>} : memref<10112xf32, #tpu.memory_space<vmem>>, vector<16xf32>,
    }
    %scan3A_10 = arith.constant 632 : i32
    %barrier3A = arith.constant 0 : index
    tpu.barrier barrier_id(%barrier3A)
    %scan3A_11 = arith.constant 0 : i32
    %scan3A_12 = arith.constant 0 : i32
    %scan3A_13 = arith.constant 10 : i32
    %scan3A_14 = arith.addi %scan3A_12, %scan3A_13 : i32
    %scan3A_15 = arith.constant 1 : i32
    scf.for %scan3A_18 = %scan3A_12 to %scan3A_14 step %scan3A_15  : i32 {
      %mul3A_19 = arith.constant 16 : i32
      %mul3A_20 = arith.muli %scan3A_18, %mul3A_19 : i32
      %multiple_of3A = tpu.assume_multiple %mul3A_20, 16 : i32
      "tpu.region"() ({
        %run_scoped3A = tpu.sem_alloc : memref<!tpu.dma_semaphore, #tpu.memory_space<semaphore_mem>>
        %dma_start3A_563 = arith.constant 0 : i32
        %dma_start3A_564 = arith.constant 0 : i32
        %dma_start3A_565 = tpu.memref_slice %arg3[%arg1, %dma_start3A_563, %dma_start3A_564] : memref<16x160x128xi32, #tpu.memory_space<hbm>> -> memref<1x160x128xi32, #tpu.memory_space<hbm>>
        %dma_start3A_566 = tpu.memref_squeeze %dma_start3A_565 : memref<1x160x128xi32, #tpu.memory_space<hbm>> -> memref<160x128xi32, #tpu.memory_space<hbm>>
        %dma_start3A_567 = arith.constant 0 : i32
        %dma_start3A_568 = tpu.memref_slice %dma_start3A_566[%multiple_of3A, %dma_start3A_567] : memref<160x128xi32, #tpu.memory_space<hbm>> -> memref<16x128xi32, #tpu.memory_space<hbm>>
        %dma_start3A_569 = arith.constant 0 : i32
        %dma_start3A_570 = arith.constant 0 : i32
        %dma_start3A_571 = tpu.memref_slice %arg3[%arg1, %dma_start3A_569, %dma_start3A_570] : memref<16x160x128xi32, #tpu.memory_space<hbm>> -> memref<1x160x128xi32, #tpu.memory_space<hbm>>
        %dma_start3A_572 = tpu.memref_squeeze %dma_start3A_571 : memref<1x160x128xi32, #tpu.memory_space<hbm>> -> memref<160x128xi32, #tpu.memory_space<hbm>>
        %dma_start3A_573 = arith.constant 0 : i32
        %dma_start3A_574 = tpu.memref_slice %dma_start3A_572[%multiple_of3A, %dma_start3A_573] : memref<160x128xi32, #tpu.memory_space<hbm>> -> memref<16x128xi32, #tpu.memory_space<hbm>>
        tpu.enqueue_dma source(%dma_start3A_574 : memref<16x128xi32, #tpu.memory_space<hbm>>) target(%arg10 : memref<16x128xi32, #tpu.memory_space<vmem>>) target_semaphore(%run_scoped3A : memref<!tpu.dma_semaphore, #tpu.memory_space<semaphore_mem>>)
        %dma_wait3A_575 = arith.constant 0 : i32
        %dma_wait3A_576 = arith.constant 0 : i32
        %dma_wait3A_577 = tpu.memref_slice %arg3[%arg1, %dma_wait3A_575, %dma_wait3A_576] : memref<16x160x128xi32, #tpu.memory_space<hbm>> -> memref<1x160x128xi32, #tpu.memory_space<hbm>>
        %dma_wait3A_578 = tpu.memref_squeeze %dma_wait3A_577 : memref<1x160x128xi32, #tpu.memory_space<hbm>> -> memref<160x128xi32, #tpu.memory_space<hbm>>
        %dma_wait3A_579 = arith.constant 0 : i32
        %dma_wait3A_580 = tpu.memref_slice %dma_wait3A_578[%multiple_of3A, %dma_wait3A_579] : memref<160x128xi32, #tpu.memory_space<hbm>> -> memref<16x128xi32, #tpu.memory_space<hbm>>
        %dma_wait3A_581 = arith.constant 0 : i32
        %dma_wait3A_582 = arith.constant 0 : i32
        %dma_wait3A_583 = tpu.memref_slice %arg3[%arg1, %dma_wait3A_581, %dma_wait3A_582] : memref<16x160x128xi32, #tpu.memory_space<hbm>> -> memref<1x160x128xi32, #tpu.memory_space<hbm>>
        %dma_wait3A_584 = tpu.memref_squeeze %dma_wait3A_583 : memref<1x160x128xi32, #tpu.memory_space<hbm>> -> memref<160x128xi32, #tpu.memory_space<hbm>>
        %dma_wait3A_585 = arith.constant 0 : i32
        %dma_wait3A_586 = tpu.memref_slice %dma_wait3A_584[%multiple_of3A, %dma_wait3A_585] : memref<160x128xi32, #tpu.memory_space<hbm>> -> memref<16x128xi32, #tpu.memory_space<hbm>>
        tpu.wait_dma2 semaphore(%run_scoped3A : memref<!tpu.dma_semaphore, #tpu.memory_space<semaphore_mem>>) src(%dma_wait3A_586 : memref<16x128xi32, #tpu.memory_space<hbm>>) dst(%arg10 : memref<16x128xi32, #tpu.memory_space<vmem>>)
        tpu.yield
      }) : () -> ()
      "tpu.region"() ({
        %run_scoped3A = tpu.sem_alloc : memref<!tpu.dma_semaphore, #tpu.memory_space<semaphore_mem>>
        %dma_start3A_563 = arith.constant 0 : i32
        %dma_start3A_564 = arith.constant 0 : i32
        %dma_start3A_565 = tpu.memref_slice %arg4[%arg1, %dma_start3A_563, %dma_start3A_564] : memref<16x160x128xi32, #tpu.memory_space<hbm>> -> memref<1x160x128xi32, #tpu.memory_space<hbm>>
        %dma_start3A_566 = tpu.memref_squeeze %dma_start3A_565 : memref<1x160x128xi32, #tpu.memory_space<hbm>> -> memref<160x128xi32, #tpu.memory_space<hbm>>
        %dma_start3A_567 = arith.constant 0 : i32
        %dma_start3A_568 = tpu.memref_slice %dma_start3A_566[%multiple_of3A, %dma_start3A_567] : memref<160x128xi32, #tpu.memory_space<hbm>> -> memref<16x128xi32, #tpu.memory_space<hbm>>
        %dma_start3A_569 = arith.constant 0 : i32
        %dma_start3A_570 = arith.constant 0 : i32
        %dma_start3A_571 = tpu.memref_slice %arg4[%arg1, %dma_start3A_569, %dma_start3A_570] : memref<16x160x128xi32, #tpu.memory_space<hbm>> -> memref<1x160x128xi32, #tpu.memory_space<hbm>>
        %dma_start3A_572 = tpu.memref_squeeze %dma_start3A_571 : memref<1x160x128xi32, #tpu.memory_space<hbm>> -> memref<160x128xi32, #tpu.memory_space<hbm>>
        %dma_start3A_573 = arith.constant 0 : i32
        %dma_start3A_574 = tpu.memref_slice %dma_start3A_572[%multiple_of3A, %dma_start3A_573] : memref<160x128xi32, #tpu.memory_space<hbm>> -> memref<16x128xi32, #tpu.memory_space<hbm>>
        tpu.enqueue_dma source(%dma_start3A_574 : memref<16x128xi32, #tpu.memory_space<hbm>>) target(%arg11 : memref<16x128xi32, #tpu.memory_space<vmem>>) target_semaphore(%run_scoped3A : memref<!tpu.dma_semaphore, #tpu.memory_space<semaphore_mem>>)
        %dma_wait3A_575 = arith.constant 0 : i32
        %dma_wait3A_576 = arith.constant 0 : i32
        %dma_wait3A_577 = tpu.memref_slice %arg4[%arg1, %dma_wait3A_575, %dma_wait3A_576] : memref<16x160x128xi32, #tpu.memory_space<hbm>> -> memref<1x160x128xi32, #tpu.memory_space<hbm>>
        %dma_wait3A_578 = tpu.memref_squeeze %dma_wait3A_577 : memref<1x160x128xi32, #tpu.memory_space<hbm>> -> memref<160x128xi32, #tpu.memory_space<hbm>>
        %dma_wait3A_579 = arith.constant 0 : i32
        %dma_wait3A_580 = tpu.memref_slice %dma_wait3A_578[%multiple_of3A, %dma_wait3A_579] : memref<160x128xi32, #tpu.memory_space<hbm>> -> memref<16x128xi32, #tpu.memory_space<hbm>>
        %dma_wait3A_581 = arith.constant 0 : i32
        %dma_wait3A_582 = arith.constant 0 : i32
        %dma_wait3A_583 = tpu.memref_slice %arg4[%arg1, %dma_wait3A_581, %dma_wait3A_582] : memref<16x160x128xi32, #tpu.memory_space<hbm>> -> memref<1x160x128xi32, #tpu.memory_space<hbm>>
        %dma_wait3A_584 = tpu.memref_squeeze %dma_wait3A_583 : memref<1x160x128xi32, #tpu.memory_space<hbm>> -> memref<160x128xi32, #tpu.memory_space<hbm>>
        %dma_wait3A_585 = arith.constant 0 : i32
        %dma_wait3A_586 = tpu.memref_slice %dma_wait3A_584[%multiple_of3A, %dma_wait3A_585] : memref<160x128xi32, #tpu.memory_space<hbm>> -> memref<16x128xi32, #tpu.memory_space<hbm>>
        tpu.wait_dma2 semaphore(%run_scoped3A : memref<!tpu.dma_semaphore, #tpu.memory_space<semaphore_mem>>) src(%dma_wait3A_586 : memref<16x128xi32, #tpu.memory_space<hbm>>) dst(%arg11 : memref<16x128xi32, #tpu.memory_space<vmem>>)
        tpu.yield
      }) : () -> ()
      %dma_start3A = arith.constant 0 : i32
      %dma_start3A_21 = arith.constant 0 : i32
      %dma_start3A_22 = tpu.memref_slice %arg10[%dma_start3A, %dma_start3A_21] : memref<16x128xi32, #tpu.memory_space<vmem>> -> memref<1x128xi32, #tpu.memory_space<vmem>>
      %dma_start3A_23 = tpu.memref_squeeze %dma_start3A_22 : memref<1x128xi32, #tpu.memory_space<vmem>> -> memref<128xi32, #tpu.memory_space<vmem>>
      %dma_start3A_24 = arith.constant 0 : i32
      %dma_start3A_25 = arith.constant 0 : i32
      %dma_start3A_26 = tpu.memref_slice %arg8[%dma_start3A_24, %dma_start3A_25] : memref<10112x64xf32, #tpu.memory_space<vmem_shared>> -> memref<10112x64xf32, #tpu.memory_space<vmem_shared>>
      tpu.enqueue_indirect_dma source(%dma_start3A_26 : memref<10112x64xf32, #tpu.memory_space<vmem_shared>>) target(%arg12 : memref<128x64xf32, #tpu.memory_space<vmem>>) offsets(%dma_start3A_23 : memref<128xi32, #tpu.memory_space<vmem>>) semaphore(%arg17 : memref<!tpu.dma_semaphore, #tpu.memory_space<semaphore_mem>>)
      %dma_start3A_27 = arith.constant 1 : i32
      %dma_start3A_28 = arith.constant 0 : i32
      %dma_start3A_29 = tpu.memref_slice %arg10[%dma_start3A_27, %dma_start3A_28] : memref<16x128xi32, #tpu.memory_space<vmem>> -> memref<1x128xi32, #tpu.memory_space<vmem>>
      %dma_start3A_30 = tpu.memref_squeeze %dma_start3A_29 : memref<1x128xi32, #tpu.memory_space<vmem>> -> memref<128xi32, #tpu.memory_space<vmem>>
      %dma_start3A_31 = arith.constant 0 : i32
      %dma_start3A_32 = arith.constant 0 : i32
      %dma_start3A_33 = tpu.memref_slice %arg8[%dma_start3A_31, %dma_start3A_32] : memref<10112x64xf32, #tpu.memory_space<vmem_shared>> -> memref<10112x64xf32, #tpu.memory_space<vmem_shared>>
      tpu.enqueue_indirect_dma source(%dma_start3A_33 : memref<10112x64xf32, #tpu.memory_space<vmem_shared>>) target(%arg13 : memref<128x64xf32, #tpu.memory_space<vmem>>) offsets(%dma_start3A_30 : memref<128xi32, #tpu.memory_space<vmem>>) semaphore(%arg18 : memref<!tpu.dma_semaphore, #tpu.memory_space<semaphore_mem>>)
      %dma_start3A_34 = arith.constant 2 : i32
      %dma_start3A_35 = arith.constant 0 : i32
      %dma_start3A_36 = tpu.memref_slice %arg10[%dma_start3A_34, %dma_start3A_35] : memref<16x128xi32, #tpu.memory_space<vmem>> -> memref<1x128xi32, #tpu.memory_space<vmem>>
      %dma_start3A_37 = tpu.memref_squeeze %dma_start3A_36 : memref<1x128xi32, #tpu.memory_space<vmem>> -> memref<128xi32, #tpu.memory_space<vmem>>
      %dma_start3A_38 = arith.constant 0 : i32
      %dma_start3A_39 = arith.constant 0 : i32
      %dma_start3A_40 = tpu.memref_slice %arg8[%dma_start3A_38, %dma_start3A_39] : memref<10112x64xf32, #tpu.memory_space<vmem_shared>> -> memref<10112x64xf32, #tpu.memory_space<vmem_shared>>
      tpu.enqueue_indirect_dma source(%dma_start3A_40 : memref<10112x64xf32, #tpu.memory_space<vmem_shared>>) target(%arg14 : memref<128x64xf32, #tpu.memory_space<vmem>>) offsets(%dma_start3A_37 : memref<128xi32, #tpu.memory_space<vmem>>) semaphore(%arg19 : memref<!tpu.dma_semaphore, #tpu.memory_space<semaphore_mem>>)
      %dma_start3A_41 = arith.constant 3 : i32
      %dma_start3A_42 = arith.constant 0 : i32
      %dma_start3A_43 = tpu.memref_slice %arg10[%dma_start3A_41, %dma_start3A_42] : memref<16x128xi32, #tpu.memory_space<vmem>> -> memref<1x128xi32, #tpu.memory_space<vmem>>
      %dma_start3A_44 = tpu.memref_squeeze %dma_start3A_43 : memref<1x128xi32, #tpu.memory_space<vmem>> -> memref<128xi32, #tpu.memory_space<vmem>>
      %dma_start3A_45 = arith.constant 0 : i32
      %dma_start3A_46 = arith.constant 0 : i32
      %dma_start3A_47 = tpu.memref_slice %arg8[%dma_start3A_45, %dma_start3A_46] : memref<10112x64xf32, #tpu.memory_space<vmem_shared>> -> memref<10112x64xf32, #tpu.memory_space<vmem_shared>>
      tpu.enqueue_indirect_dma source(%dma_start3A_47 : memref<10112x64xf32, #tpu.memory_space<vmem_shared>>) target(%arg15 : memref<128x64xf32, #tpu.memory_space<vmem>>) offsets(%dma_start3A_44 : memref<128xi32, #tpu.memory_space<vmem>>) semaphore(%arg20 : memref<!tpu.dma_semaphore, #tpu.memory_space<semaphore_mem>>)
      %dma_wait3A = arith.constant 0 : i32
      %dma_wait3A_48 = arith.constant 0 : i32
      %dma_wait3A_49 = tpu.memref_slice %arg10[%dma_wait3A, %dma_wait3A_48] : memref<16x128xi32, #tpu.memory_space<vmem>> -> memref<1x128xi32, #tpu.memory_space<vmem>>
      %dma_wait3A_50 = tpu.memref_squeeze %dma_wait3A_49 : memref<1x128xi32, #tpu.memory_space<vmem>> -> memref<128xi32, #tpu.memory_space<vmem>>
      %dma_wait3A_51 = arith.constant 0 : i32
      %dma_wait3A_52 = arith.constant 0 : i32
      %dma_wait3A_53 = tpu.memref_slice %arg8[%dma_wait3A_51, %dma_wait3A_52] : memref<10112x64xf32, #tpu.memory_space<vmem_shared>> -> memref<10112x64xf32, #tpu.memory_space<vmem_shared>>
      tpu.wait_indirect_dma semaphore(%arg17 : memref<!tpu.dma_semaphore, #tpu.memory_space<semaphore_mem>>) src(%dma_wait3A_53 : memref<10112x64xf32, #tpu.memory_space<vmem_shared>>) dst(%arg12 : memref<128x64xf32, #tpu.memory_space<vmem>>)
      %dma_start3A_54 = arith.constant 0 : i32
      %dma_start3A_55 = arith.constant 0 : i32
      %dma_start3A_56 = tpu.memref_slice %arg11[%dma_start3A_54, %dma_start3A_55] : memref<16x128xi32, #tpu.memory_space<vmem>> -> memref<1x128xi32, #tpu.memory_space<vmem>>
      %dma_start3A_57 = tpu.memref_squeeze %dma_start3A_56 : memref<1x128xi32, #tpu.memory_space<vmem>> -> memref<128xi32, #tpu.memory_space<vmem>>
      %dma_start3A_58 = arith.constant 0 : i32
      %dma_start3A_59 = arith.constant 0 : i32
      %dma_start3A_60 = tpu.memref_slice %arg9[%dma_start3A_58, %dma_start3A_59] : memref<10112x64xf32, #tpu.memory_space<vmem_shared>> -> memref<10112x64xf32, #tpu.memory_space<vmem_shared>>
      tpu.enqueue_indirect_dma source(%arg12 : memref<128x64xf32, #tpu.memory_space<vmem>>) target(%dma_start3A_60 : memref<10112x64xf32, #tpu.memory_space<vmem_shared>>) offsets(%dma_start3A_57 : memref<128xi32, #tpu.memory_space<vmem>>) semaphore(%arg21 : memref<!tpu.dma_semaphore, #tpu.memory_space<semaphore_mem>>) {add = true}
      %scan3A_61 = arith.constant 0 : i32
      %scan3A_62 = arith.constant 0 : i32
      %scan3A_63 = arith.constant 8 : i32
      %scan3A_64 = arith.addi %scan3A_62, %scan3A_63 : i32
      %scan3A_65 = arith.constant 1 : i32
      scf.for %scan3A_563 = %scan3A_62 to %scan3A_64 step %scan3A_65  : i32 {
        %mul3A_564 = arith.constant 16 : i32
        %mul3A_565 = arith.muli %scan3A_563, %mul3A_564 : i32
        %get3A = arith.constant 0 : i32
        %get3A_566 = arith.index_cast %get3A : i32 to index
        %get3A_567 = arith.index_cast %mul3A_565 : i32 to index
        %get3A_568 = tpu.vector_load %arg11[%get3A_566, %get3A_567] {strides = array<i32>} : memref<16x128xi32, #tpu.memory_space<vmem>>, vector<16xi32>,
        tpu.vector_store_idx %arg16[%get3A_568], %broadcast_in_dim3A_5 {add = true} : memref<10112xf32, #tpu.memory_space<vmem>>[vector<16xi32>], vector<16xf32>,
      }
      %scan3A_66 = arith.constant 8 : i32
      %dma_wait3A_67 = arith.constant 0 : i32
      %dma_wait3A_68 = arith.constant 0 : i32
      %dma_wait3A_69 = tpu.memref_slice %arg11[%dma_wait3A_67, %dma_wait3A_68] : memref<16x128xi32, #tpu.memory_space<vmem>> -> memref<1x128xi32, #tpu.memory_space<vmem>>
      %dma_wait3A_70 = tpu.memref_squeeze %dma_wait3A_69 : memref<1x128xi32, #tpu.memory_space<vmem>> -> memref<128xi32, #tpu.memory_space<vmem>>
      %dma_wait3A_71 = arith.constant 0 : i32
      %dma_wait3A_72 = arith.constant 0 : i32
      %dma_wait3A_73 = tpu.memref_slice %arg9[%dma_wait3A_71, %dma_wait3A_72] : memref<10112x64xf32, #tpu.memory_space<vmem_shared>> -> memref<10112x64xf32, #tpu.memory_space<vmem_shared>>
      tpu.wait_indirect_dma semaphore(%arg21 : memref<!tpu.dma_semaphore, #tpu.memory_space<semaphore_mem>>) src(%arg12 : memref<128x64xf32, #tpu.memory_space<vmem>>) dst(%dma_wait3A_73 : memref<10112x64xf32, #tpu.memory_space<vmem_shared>>)
      %dma_start3A_74 = arith.constant 4 : i32
      %dma_start3A_75 = arith.constant 0 : i32
      %dma_start3A_76 = tpu.memref_slice %arg10[%dma_start3A_74, %dma_start3A_75] : memref<16x128xi32, #tpu.memory_space<vmem>> -> memref<1x128xi32, #tpu.memory_space<vmem>>
      %dma_start3A_77 = tpu.memref_squeeze %dma_start3A_76 : memref<1x128xi32, #tpu.memory_space<vmem>> -> memref<128xi32, #tpu.memory_space<vmem>>
      %dma_start3A_78 = arith.constant 0 : i32
      %dma_start3A_79 = arith.constant 0 : i32
      %dma_start3A_80 = tpu.memref_slice %arg8[%dma_start3A_78, %dma_start3A_79] : memref<10112x64xf32, #tpu.memory_space<vmem_shared>> -> memref<10112x64xf32, #tpu.memory_space<vmem_shared>>
      tpu.enqueue_indirect_dma source(%dma_start3A_80 : memref<10112x64xf32, #tpu.memory_space<vmem_shared>>) target(%arg12 : memref<128x64xf32, #tpu.memory_space<vmem>>) offsets(%dma_start3A_77 : memref<128xi32, #tpu.memory_space<vmem>>) semaphore(%arg17 : memref<!tpu.dma_semaphore, #tpu.memory_space<semaphore_mem>>)
      %dma_wait3A_81 = arith.constant 1 : i32
      %dma_wait3A_82 = arith.constant 0 : i32
      %dma_wait3A_83 = tpu.memref_slice %arg10[%dma_wait3A_81, %dma_wait3A_82] : memref<16x128xi32, #tpu.memory_space<vmem>> -> memref<1x128xi32, #tpu.memory_space<vmem>>
      %dma_wait3A_84 = tpu.memref_squeeze %dma_wait3A_83 : memref<1x128xi32, #tpu.memory_space<vmem>> -> memref<128xi32, #tpu.memory_space<vmem>>
      %dma_wait3A_85 = arith.constant 0 : i32
      %dma_wait3A_86 = arith.constant 0 : i32
      %dma_wait3A_87 = tpu.memref_slice %arg8[%dma_wait3A_85, %dma_wait3A_86] : memref<10112x64xf32, #tpu.memory_space<vmem_shared>> -> memref<10112x64xf32, #tpu.memory_space<vmem_shared>>
      tpu.wait_indirect_dma semaphore(%arg18 : memref<!tpu.dma_semaphore, #tpu.memory_space<semaphore_mem>>) src(%dma_wait3A_87 : memref<10112x64xf32, #tpu.memory_space<vmem_shared>>) dst(%arg13 : memref<128x64xf32, #tpu.memory_space<vmem>>)
      %dma_start3A_88 = arith.constant 1 : i32
      %dma_start3A_89 = arith.constant 0 : i32
      %dma_start3A_90 = tpu.memref_slice %arg11[%dma_start3A_88, %dma_start3A_89] : memref<16x128xi32, #tpu.memory_space<vmem>> -> memref<1x128xi32, #tpu.memory_space<vmem>>
      %dma_start3A_91 = tpu.memref_squeeze %dma_start3A_90 : memref<1x128xi32, #tpu.memory_space<vmem>> -> memref<128xi32, #tpu.memory_space<vmem>>
      %dma_start3A_92 = arith.constant 0 : i32
      %dma_start3A_93 = arith.constant 0 : i32
      %dma_start3A_94 = tpu.memref_slice %arg9[%dma_start3A_92, %dma_start3A_93] : memref<10112x64xf32, #tpu.memory_space<vmem_shared>> -> memref<10112x64xf32, #tpu.memory_space<vmem_shared>>
      tpu.enqueue_indirect_dma source(%arg13 : memref<128x64xf32, #tpu.memory_space<vmem>>) target(%dma_start3A_94 : memref<10112x64xf32, #tpu.memory_space<vmem_shared>>) offsets(%dma_start3A_91 : memref<128xi32, #tpu.memory_space<vmem>>) semaphore(%arg22 : memref<!tpu.dma_semaphore, #tpu.memory_space<semaphore_mem>>) {add = true}
      %scan3A_95 = arith.constant 0 : i32
      %scan3A_96 = arith.constant 0 : i32
      %scan3A_97 = arith.constant 8 : i32
      %scan3A_98 = arith.addi %scan3A_96, %scan3A_97 : i32
      %scan3A_99 = arith.constant 1 : i32
      scf.for %scan3A_563 = %scan3A_96 to %scan3A_98 step %scan3A_99  : i32 {
        %mul3A_564 = arith.constant 16 : i32
        %mul3A_565 = arith.muli %scan3A_563, %mul3A_564 : i32
        %get3A = arith.constant 1 : i32
        %get3A_566 = arith.index_cast %get3A : i32 to index
        %get3A_567 = arith.index_cast %mul3A_565 : i32 to index
        %get3A_568 = tpu.vector_load %arg11[%get3A_566, %get3A_567] {strides = array<i32>} : memref<16x128xi32, #tpu.memory_space<vmem>>, vector<16xi32>,
        tpu.vector_store_idx %arg16[%get3A_568], %broadcast_in_dim3A_5 {add = true} : memref<10112xf32, #tpu.memory_space<vmem>>[vector<16xi32>], vector<16xf32>,
      }
      %scan3A_100 = arith.constant 8 : i32
      %dma_wait3A_101 = arith.constant 1 : i32
      %dma_wait3A_102 = arith.constant 0 : i32
      %dma_wait3A_103 = tpu.memref_slice %arg11[%dma_wait3A_101, %dma_wait3A_102] : memref<16x128xi32, #tpu.memory_space<vmem>> -> memref<1x128xi32, #tpu.memory_space<vmem>>
      %dma_wait3A_104 = tpu.memref_squeeze %dma_wait3A_103 : memref<1x128xi32, #tpu.memory_space<vmem>> -> memref<128xi32, #tpu.memory_space<vmem>>
      %dma_wait3A_105 = arith.constant 0 : i32
      %dma_wait3A_106 = arith.constant 0 : i32
      %dma_wait3A_107 = tpu.memref_slice %arg9[%dma_wait3A_105, %dma_wait3A_106] : memref<10112x64xf32, #tpu.memory_space<vmem_shared>> -> memref<10112x64xf32, #tpu.memory_space<vmem_shared>>
      tpu.wait_indirect_dma semaphore(%arg22 : memref<!tpu.dma_semaphore, #tpu.memory_space<semaphore_mem>>) src(%arg13 : memref<128x64xf32, #tpu.memory_space<vmem>>) dst(%dma_wait3A_107 : memref<10112x64xf32, #tpu.memory_space<vmem_shared>>)
      %dma_start3A_108 = arith.constant 5 : i32
      %dma_start3A_109 = arith.constant 0 : i32
      %dma_start3A_110 = tpu.memref_slice %arg10[%dma_start3A_108, %dma_start3A_109] : memref<16x128xi32, #tpu.memory_space<vmem>> -> memref<1x128xi32, #tpu.memory_space<vmem>>
      %dma_start3A_111 = tpu.memref_squeeze %dma_start3A_110 : memref<1x128xi32, #tpu.memory_space<vmem>> -> memref<128xi32, #tpu.memory_space<vmem>>
      %dma_start3A_112 = arith.constant 0 : i32
      %dma_start3A_113 = arith.constant 0 : i32
      %dma_start3A_114 = tpu.memref_slice %arg8[%dma_start3A_112, %dma_start3A_113] : memref<10112x64xf32, #tpu.memory_space<vmem_shared>> -> memref<10112x64xf32, #tpu.memory_space<vmem_shared>>
      tpu.enqueue_indirect_dma source(%dma_start3A_114 : memref<10112x64xf32, #tpu.memory_space<vmem_shared>>) target(%arg13 : memref<128x64xf32, #tpu.memory_space<vmem>>) offsets(%dma_start3A_111 : memref<128xi32, #tpu.memory_space<vmem>>) semaphore(%arg18 : memref<!tpu.dma_semaphore, #tpu.memory_space<semaphore_mem>>)
      %dma_wait3A_115 = arith.constant 2 : i32
      %dma_wait3A_116 = arith.constant 0 : i32
      %dma_wait3A_117 = tpu.memref_slice %arg10[%dma_wait3A_115, %dma_wait3A_116] : memref<16x128xi32, #tpu.memory_space<vmem>> -> memref<1x128xi32, #tpu.memory_space<vmem>>
      %dma_wait3A_118 = tpu.memref_squeeze %dma_wait3A_117 : memref<1x128xi32, #tpu.memory_space<vmem>> -> memref<128xi32, #tpu.memory_space<vmem>>
      %dma_wait3A_119 = arith.constant 0 : i32
      %dma_wait3A_120 = arith.constant 0 : i32
      %dma_wait3A_121 = tpu.memref_slice %arg8[%dma_wait3A_119, %dma_wait3A_120] : memref<10112x64xf32, #tpu.memory_space<vmem_shared>> -> memref<10112x64xf32, #tpu.memory_space<vmem_shared>>
      tpu.wait_indirect_dma semaphore(%arg19 : memref<!tpu.dma_semaphore, #tpu.memory_space<semaphore_mem>>) src(%dma_wait3A_121 : memref<10112x64xf32, #tpu.memory_space<vmem_shared>>) dst(%arg14 : memref<128x64xf32, #tpu.memory_space<vmem>>)
      %dma_start3A_122 = arith.constant 2 : i32
      %dma_start3A_123 = arith.constant 0 : i32
      %dma_start3A_124 = tpu.memref_slice %arg11[%dma_start3A_122, %dma_start3A_123] : memref<16x128xi32, #tpu.memory_space<vmem>> -> memref<1x128xi32, #tpu.memory_space<vmem>>
      %dma_start3A_125 = tpu.memref_squeeze %dma_start3A_124 : memref<1x128xi32, #tpu.memory_space<vmem>> -> memref<128xi32, #tpu.memory_space<vmem>>
      %dma_start3A_126 = arith.constant 0 : i32
      %dma_start3A_127 = arith.constant 0 : i32
      %dma_start3A_128 = tpu.memref_slice %arg9[%dma_start3A_126, %dma_start3A_127] : memref<10112x64xf32, #tpu.memory_space<vmem_shared>> -> memref<10112x64xf32, #tpu.memory_space<vmem_shared>>
      tpu.enqueue_indirect_dma source(%arg14 : memref<128x64xf32, #tpu.memory_space<vmem>>) target(%dma_start3A_128 : memref<10112x64xf32, #tpu.memory_space<vmem_shared>>) offsets(%dma_start3A_125 : memref<128xi32, #tpu.memory_space<vmem>>) semaphore(%arg23 : memref<!tpu.dma_semaphore, #tpu.memory_space<semaphore_mem>>) {add = true}
      %scan3A_129 = arith.constant 0 : i32
      %scan3A_130 = arith.constant 0 : i32
      %scan3A_131 = arith.constant 8 : i32
      %scan3A_132 = arith.addi %scan3A_130, %scan3A_131 : i32
      %scan3A_133 = arith.constant 1 : i32
      scf.for %scan3A_563 = %scan3A_130 to %scan3A_132 step %scan3A_133  : i32 {
        %mul3A_564 = arith.constant 16 : i32
        %mul3A_565 = arith.muli %scan3A_563, %mul3A_564 : i32
        %get3A = arith.constant 2 : i32
        %get3A_566 = arith.index_cast %get3A : i32 to index
        %get3A_567 = arith.index_cast %mul3A_565 : i32 to index
        %get3A_568 = tpu.vector_load %arg11[%get3A_566, %get3A_567] {strides = array<i32>} : memref<16x128xi32, #tpu.memory_space<vmem>>, vector<16xi32>,
        tpu.vector_store_idx %arg16[%get3A_568], %broadcast_in_dim3A_5 {add = true} : memref<10112xf32, #tpu.memory_space<vmem>>[vector<16xi32>], vector<16xf32>,
      }
      %scan3A_134 = arith.constant 8 : i32
      %dma_wait3A_135 = arith.constant 2 : i32
      %dma_wait3A_136 = arith.constant 0 : i32
      %dma_wait3A_137 = tpu.memref_slice %arg11[%dma_wait3A_135, %dma_wait3A_136] : memref<16x128xi32, #tpu.memory_space<vmem>> -> memref<1x128xi32, #tpu.memory_space<vmem>>
      %dma_wait3A_138 = tpu.memref_squeeze %dma_wait3A_137 : memref<1x128xi32, #tpu.memory_space<vmem>> -> memref<128xi32, #tpu.memory_space<vmem>>
      %dma_wait3A_139 = arith.constant 0 : i32
      %dma_wait3A_140 = arith.constant 0 : i32
      %dma_wait3A_141 = tpu.memref_slice %arg9[%dma_wait3A_139, %dma_wait3A_140] : memref<10112x64xf32, #tpu.memory_space<vmem_shared>> -> memref<10112x64xf32, #tpu.memory_space<vmem_shared>>
      tpu.wait_indirect_dma semaphore(%arg23 : memref<!tpu.dma_semaphore, #tpu.memory_space<semaphore_mem>>) src(%arg14 : memref<128x64xf32, #tpu.memory_space<vmem>>) dst(%dma_wait3A_141 : memref<10112x64xf32, #tpu.memory_space<vmem_shared>>)
      %dma_start3A_142 = arith.constant 6 : i32
      %dma_start3A_143 = arith.constant 0 : i32
      %dma_start3A_144 = tpu.memref_slice %arg10[%dma_start3A_142, %dma_start3A_143] : memref<16x128xi32, #tpu.memory_space<vmem>> -> memref<1x128xi32, #tpu.memory_space<vmem>>
      %dma_start3A_145 = tpu.memref_squeeze %dma_start3A_144 : memref<1x128xi32, #tpu.memory_space<vmem>> -> memref<128xi32, #tpu.memory_space<vmem>>
      %dma_start3A_146 = arith.constant 0 : i32
      %dma_start3A_147 = arith.constant 0 : i32
      %dma_start3A_148 = tpu.memref_slice %arg8[%dma_start3A_146, %dma_start3A_147] : memref<10112x64xf32, #tpu.memory_space<vmem_shared>> -> memref<10112x64xf32, #tpu.memory_space<vmem_shared>>
      tpu.enqueue_indirect_dma source(%dma_start3A_148 : memref<10112x64xf32, #tpu.memory_space<vmem_shared>>) target(%arg14 : memref<128x64xf32, #tpu.memory_space<vmem>>) offsets(%dma_start3A_145 : memref<128xi32, #tpu.memory_space<vmem>>) semaphore(%arg19 : memref<!tpu.dma_semaphore, #tpu.memory_space<semaphore_mem>>)
      %dma_wait3A_149 = arith.constant 3 : i32
      %dma_wait3A_150 = arith.constant 0 : i32
      %dma_wait3A_151 = tpu.memref_slice %arg10[%dma_wait3A_149, %dma_wait3A_150] : memref<16x128xi32, #tpu.memory_space<vmem>> -> memref<1x128xi32, #tpu.memory_space<vmem>>
      %dma_wait3A_152 = tpu.memref_squeeze %dma_wait3A_151 : memref<1x128xi32, #tpu.memory_space<vmem>> -> memref<128xi32, #tpu.memory_space<vmem>>
      %dma_wait3A_153 = arith.constant 0 : i32
      %dma_wait3A_154 = arith.constant 0 : i32
      %dma_wait3A_155 = tpu.memref_slice %arg8[%dma_wait3A_153, %dma_wait3A_154] : memref<10112x64xf32, #tpu.memory_space<vmem_shared>> -> memref<10112x64xf32, #tpu.memory_space<vmem_shared>>
      tpu.wait_indirect_dma semaphore(%arg20 : memref<!tpu.dma_semaphore, #tpu.memory_space<semaphore_mem>>) src(%dma_wait3A_155 : memref<10112x64xf32, #tpu.memory_space<vmem_shared>>) dst(%arg15 : memref<128x64xf32, #tpu.memory_space<vmem>>)
      %dma_start3A_156 = arith.constant 3 : i32
      %dma_start3A_157 = arith.constant 0 : i32
      %dma_start3A_158 = tpu.memref_slice %arg11[%dma_start3A_156, %dma_start3A_157] : memref<16x128xi32, #tpu.memory_space<vmem>> -> memref<1x128xi32, #tpu.memory_space<vmem>>
      %dma_start3A_159 = tpu.memref_squeeze %dma_start3A_158 : memref<1x128xi32, #tpu.memory_space<vmem>> -> memref<128xi32, #tpu.memory_space<vmem>>
      %dma_start3A_160 = arith.constant 0 : i32
      %dma_start3A_161 = arith.constant 0 : i32
      %dma_start3A_162 = tpu.memref_slice %arg9[%dma_start3A_160, %dma_start3A_161] : memref<10112x64xf32, #tpu.memory_space<vmem_shared>> -> memref<10112x64xf32, #tpu.memory_space<vmem_shared>>
      tpu.enqueue_indirect_dma source(%arg15 : memref<128x64xf32, #tpu.memory_space<vmem>>) target(%dma_start3A_162 : memref<10112x64xf32, #tpu.memory_space<vmem_shared>>) offsets(%dma_start3A_159 : memref<128xi32, #tpu.memory_space<vmem>>) semaphore(%arg24 : memref<!tpu.dma_semaphore, #tpu.memory_space<semaphore_mem>>) {add = true}
      %scan3A_163 = arith.constant 0 : i32
      %scan3A_164 = arith.constant 0 : i32
      %scan3A_165 = arith.constant 8 : i32
      %scan3A_166 = arith.addi %scan3A_164, %scan3A_165 : i32
      %scan3A_167 = arith.constant 1 : i32
      scf.for %scan3A_563 = %scan3A_164 to %scan3A_166 step %scan3A_167  : i32 {
        %mul3A_564 = arith.constant 16 : i32
        %mul3A_565 = arith.muli %scan3A_563, %mul3A_564 : i32
        %get3A = arith.constant 3 : i32
        %get3A_566 = arith.index_cast %get3A : i32 to index
        %get3A_567 = arith.index_cast %mul3A_565 : i32 to index
        %get3A_568 = tpu.vector_load %arg11[%get3A_566, %get3A_567] {strides = array<i32>} : memref<16x128xi32, #tpu.memory_space<vmem>>, vector<16xi32>,
        tpu.vector_store_idx %arg16[%get3A_568], %broadcast_in_dim3A_5 {add = true} : memref<10112xf32, #tpu.memory_space<vmem>>[vector<16xi32>], vector<16xf32>,
      }
      %scan3A_168 = arith.constant 8 : i32
      %dma_wait3A_169 = arith.constant 3 : i32
      %dma_wait3A_170 = arith.constant 0 : i32
      %dma_wait3A_171 = tpu.memref_slice %arg11[%dma_wait3A_169, %dma_wait3A_170] : memref<16x128xi32, #tpu.memory_space<vmem>> -> memref<1x128xi32, #tpu.memory_space<vmem>>
      %dma_wait3A_172 = tpu.memref_squeeze %dma_wait3A_171 : memref<1x128xi32, #tpu.memory_space<vmem>> -> memref<128xi32, #tpu.memory_space<vmem>>
      %dma_wait3A_173 = arith.constant 0 : i32
      %dma_wait3A_174 = arith.constant 0 : i32
      %dma_wait3A_175 = tpu.memref_slice %arg9[%dma_wait3A_173, %dma_wait3A_174] : memref<10112x64xf32, #tpu.memory_space<vmem_shared>> -> memref<10112x64xf32, #tpu.memory_space<vmem_shared>>
      tpu.wait_indirect_dma semaphore(%arg24 : memref<!tpu.dma_semaphore, #tpu.memory_space<semaphore_mem>>) src(%arg15 : memref<128x64xf32, #tpu.memory_space<vmem>>) dst(%dma_wait3A_175 : memref<10112x64xf32, #tpu.memory_space<vmem_shared>>)
      %dma_start3A_176 = arith.constant 7 : i32
      %dma_start3A_177 = arith.constant 0 : i32
      %dma_start3A_178 = tpu.memref_slice %arg10[%dma_start3A_176, %dma_start3A_177] : memref<16x128xi32, #tpu.memory_space<vmem>> -> memref<1x128xi32, #tpu.memory_space<vmem>>
      %dma_start3A_179 = tpu.memref_squeeze %dma_start3A_178 : memref<1x128xi32, #tpu.memory_space<vmem>> -> memref<128xi32, #tpu.memory_space<vmem>>
      %dma_start3A_180 = arith.constant 0 : i32
      %dma_start3A_181 = arith.constant 0 : i32
      %dma_start3A_182 = tpu.memref_slice %arg8[%dma_start3A_180, %dma_start3A_181] : memref<10112x64xf32, #tpu.memory_space<vmem_shared>> -> memref<10112x64xf32, #tpu.memory_space<vmem_shared>>
      tpu.enqueue_indirect_dma source(%dma_start3A_182 : memref<10112x64xf32, #tpu.memory_space<vmem_shared>>) target(%arg15 : memref<128x64xf32, #tpu.memory_space<vmem>>) offsets(%dma_start3A_179 : memref<128xi32, #tpu.memory_space<vmem>>) semaphore(%arg20 : memref<!tpu.dma_semaphore, #tpu.memory_space<semaphore_mem>>)
      %dma_wait3A_183 = arith.constant 4 : i32
      %dma_wait3A_184 = arith.constant 0 : i32
      %dma_wait3A_185 = tpu.memref_slice %arg10[%dma_wait3A_183, %dma_wait3A_184] : memref<16x128xi32, #tpu.memory_space<vmem>> -> memref<1x128xi32, #tpu.memory_space<vmem>>
      %dma_wait3A_186 = tpu.memref_squeeze %dma_wait3A_185 : memref<1x128xi32, #tpu.memory_space<vmem>> -> memref<128xi32, #tpu.memory_space<vmem>>
      %dma_wait3A_187 = arith.constant 0 : i32
      %dma_wait3A_188 = arith.constant 0 : i32
      %dma_wait3A_189 = tpu.memref_slice %arg8[%dma_wait3A_187, %dma_wait3A_188] : memref<10112x64xf32, #tpu.memory_space<vmem_shared>> -> memref<10112x64xf32, #tpu.memory_space<vmem_shared>>
      tpu.wait_indirect_dma semaphore(%arg17 : memref<!tpu.dma_semaphore, #tpu.memory_space<semaphore_mem>>) src(%dma_wait3A_189 : memref<10112x64xf32, #tpu.memory_space<vmem_shared>>) dst(%arg12 : memref<128x64xf32, #tpu.memory_space<vmem>>)
      %dma_start3A_190 = arith.constant 4 : i32
      %dma_start3A_191 = arith.constant 0 : i32
      %dma_start3A_192 = tpu.memref_slice %arg11[%dma_start3A_190, %dma_start3A_191] : memref<16x128xi32, #tpu.memory_space<vmem>> -> memref<1x128xi32, #tpu.memory_space<vmem>>
      %dma_start3A_193 = tpu.memref_squeeze %dma_start3A_192 : memref<1x128xi32, #tpu.memory_space<vmem>> -> memref<128xi32, #tpu.memory_space<vmem>>
      %dma_start3A_194 = arith.constant 0 : i32
      %dma_start3A_195 = arith.constant 0 : i32
      %dma_start3A_196 = tpu.memref_slice %arg9[%dma_start3A_194, %dma_start3A_195] : memref<10112x64xf32, #tpu.memory_space<vmem_shared>> -> memref<10112x64xf32, #tpu.memory_space<vmem_shared>>
      tpu.enqueue_indirect_dma source(%arg12 : memref<128x64xf32, #tpu.memory_space<vmem>>) target(%dma_start3A_196 : memref<10112x64xf32, #tpu.memory_space<vmem_shared>>) offsets(%dma_start3A_193 : memref<128xi32, #tpu.memory_space<vmem>>) semaphore(%arg21 : memref<!tpu.dma_semaphore, #tpu.memory_space<semaphore_mem>>) {add = true}
      %scan3A_197 = arith.constant 0 : i32
      %scan3A_198 = arith.constant 0 : i32
      %scan3A_199 = arith.constant 8 : i32
      %scan3A_200 = arith.addi %scan3A_198, %scan3A_199 : i32
      %scan3A_201 = arith.constant 1 : i32
      scf.for %scan3A_563 = %scan3A_198 to %scan3A_200 step %scan3A_201  : i32 {
        %mul3A_564 = arith.constant 16 : i32
        %mul3A_565 = arith.muli %scan3A_563, %mul3A_564 : i32
        %get3A = arith.constant 4 : i32
        %get3A_566 = arith.index_cast %get3A : i32 to index
        %get3A_567 = arith.index_cast %mul3A_565 : i32 to index
        %get3A_568 = tpu.vector_load %arg11[%get3A_566, %get3A_567] {strides = array<i32>} : memref<16x128xi32, #tpu.memory_space<vmem>>, vector<16xi32>,
        tpu.vector_store_idx %arg16[%get3A_568], %broadcast_in_dim3A_5 {add = true} : memref<10112xf32, #tpu.memory_space<vmem>>[vector<16xi32>], vector<16xf32>,
      }
      %scan3A_202 = arith.constant 8 : i32
      %dma_wait3A_203 = arith.constant 4 : i32
      %dma_wait3A_204 = arith.constant 0 : i32
      %dma_wait3A_205 = tpu.memref_slice %arg11[%dma_wait3A_203, %dma_wait3A_204] : memref<16x128xi32, #tpu.memory_space<vmem>> -> memref<1x128xi32, #tpu.memory_space<vmem>>
      %dma_wait3A_206 = tpu.memref_squeeze %dma_wait3A_205 : memref<1x128xi32, #tpu.memory_space<vmem>> -> memref<128xi32, #tpu.memory_space<vmem>>
      %dma_wait3A_207 = arith.constant 0 : i32
      %dma_wait3A_208 = arith.constant 0 : i32
      %dma_wait3A_209 = tpu.memref_slice %arg9[%dma_wait3A_207, %dma_wait3A_208] : memref<10112x64xf32, #tpu.memory_space<vmem_shared>> -> memref<10112x64xf32, #tpu.memory_space<vmem_shared>>
      tpu.wait_indirect_dma semaphore(%arg21 : memref<!tpu.dma_semaphore, #tpu.memory_space<semaphore_mem>>) src(%arg12 : memref<128x64xf32, #tpu.memory_space<vmem>>) dst(%dma_wait3A_209 : memref<10112x64xf32, #tpu.memory_space<vmem_shared>>)
      %dma_start3A_210 = arith.constant 8 : i32
      %dma_start3A_211 = arith.constant 0 : i32
      %dma_start3A_212 = tpu.memref_slice %arg10[%dma_start3A_210, %dma_start3A_211] : memref<16x128xi32, #tpu.memory_space<vmem>> -> memref<1x128xi32, #tpu.memory_space<vmem>>
      %dma_start3A_213 = tpu.memref_squeeze %dma_start3A_212 : memref<1x128xi32, #tpu.memory_space<vmem>> -> memref<128xi32, #tpu.memory_space<vmem>>
      %dma_start3A_214 = arith.constant 0 : i32
      %dma_start3A_215 = arith.constant 0 : i32
      %dma_start3A_216 = tpu.memref_slice %arg8[%dma_start3A_214, %dma_start3A_215] : memref<10112x64xf32, #tpu.memory_space<vmem_shared>> -> memref<10112x64xf32, #tpu.memory_space<vmem_shared>>
      tpu.enqueue_indirect_dma source(%dma_start3A_216 : memref<10112x64xf32, #tpu.memory_space<vmem_shared>>) target(%arg12 : memref<128x64xf32, #tpu.memory_space<vmem>>) offsets(%dma_start3A_213 : memref<128xi32, #tpu.memory_space<vmem>>) semaphore(%arg17 : memref<!tpu.dma_semaphore, #tpu.memory_space<semaphore_mem>>)
      %dma_wait3A_217 = arith.constant 5 : i32
      %dma_wait3A_218 = arith.constant 0 : i32
      %dma_wait3A_219 = tpu.memref_slice %arg10[%dma_wait3A_217, %dma_wait3A_218] : memref<16x128xi32, #tpu.memory_space<vmem>> -> memref<1x128xi32, #tpu.memory_space<vmem>>
      %dma_wait3A_220 = tpu.memref_squeeze %dma_wait3A_219 : memref<1x128xi32, #tpu.memory_space<vmem>> -> memref<128xi32, #tpu.memory_space<vmem>>
      %dma_wait3A_221 = arith.constant 0 : i32
      %dma_wait3A_222 = arith.constant 0 : i32
      %dma_wait3A_223 = tpu.memref_slice %arg8[%dma_wait3A_221, %dma_wait3A_222] : memref<10112x64xf32, #tpu.memory_space<vmem_shared>> -> memref<10112x64xf32, #tpu.memory_space<vmem_shared>>
      tpu.wait_indirect_dma semaphore(%arg18 : memref<!tpu.dma_semaphore, #tpu.memory_space<semaphore_mem>>) src(%dma_wait3A_223 : memref<10112x64xf32, #tpu.memory_space<vmem_shared>>) dst(%arg13 : memref<128x64xf32, #tpu.memory_space<vmem>>)
      %dma_start3A_224 = arith.constant 5 : i32
      %dma_start3A_225 = arith.constant 0 : i32
      %dma_start3A_226 = tpu.memref_slice %arg11[%dma_start3A_224, %dma_start3A_225] : memref<16x128xi32, #tpu.memory_space<vmem>> -> memref<1x128xi32, #tpu.memory_space<vmem>>
      %dma_start3A_227 = tpu.memref_squeeze %dma_start3A_226 : memref<1x128xi32, #tpu.memory_space<vmem>> -> memref<128xi32, #tpu.memory_space<vmem>>
      %dma_start3A_228 = arith.constant 0 : i32
      %dma_start3A_229 = arith.constant 0 : i32
      %dma_start3A_230 = tpu.memref_slice %arg9[%dma_start3A_228, %dma_start3A_229] : memref<10112x64xf32, #tpu.memory_space<vmem_shared>> -> memref<10112x64xf32, #tpu.memory_space<vmem_shared>>
      tpu.enqueue_indirect_dma source(%arg13 : memref<128x64xf32, #tpu.memory_space<vmem>>) target(%dma_start3A_230 : memref<10112x64xf32, #tpu.memory_space<vmem_shared>>) offsets(%dma_start3A_227 : memref<128xi32, #tpu.memory_space<vmem>>) semaphore(%arg22 : memref<!tpu.dma_semaphore, #tpu.memory_space<semaphore_mem>>) {add = true}
      %scan3A_231 = arith.constant 0 : i32
      %scan3A_232 = arith.constant 0 : i32
      %scan3A_233 = arith.constant 8 : i32
      %scan3A_234 = arith.addi %scan3A_232, %scan3A_233 : i32
      %scan3A_235 = arith.constant 1 : i32
      scf.for %scan3A_563 = %scan3A_232 to %scan3A_234 step %scan3A_235  : i32 {
        %mul3A_564 = arith.constant 16 : i32
        %mul3A_565 = arith.muli %scan3A_563, %mul3A_564 : i32
        %get3A = arith.constant 5 : i32
        %get3A_566 = arith.index_cast %get3A : i32 to index
        %get3A_567 = arith.index_cast %mul3A_565 : i32 to index
        %get3A_568 = tpu.vector_load %arg11[%get3A_566, %get3A_567] {strides = array<i32>} : memref<16x128xi32, #tpu.memory_space<vmem>>, vector<16xi32>,
        tpu.vector_store_idx %arg16[%get3A_568], %broadcast_in_dim3A_5 {add = true} : memref<10112xf32, #tpu.memory_space<vmem>>[vector<16xi32>], vector<16xf32>,
      }
      %scan3A_236 = arith.constant 8 : i32
      %dma_wait3A_237 = arith.constant 5 : i32
      %dma_wait3A_238 = arith.constant 0 : i32
      %dma_wait3A_239 = tpu.memref_slice %arg11[%dma_wait3A_237, %dma_wait3A_238] : memref<16x128xi32, #tpu.memory_space<vmem>> -> memref<1x128xi32, #tpu.memory_space<vmem>>
      %dma_wait3A_240 = tpu.memref_squeeze %dma_wait3A_239 : memref<1x128xi32, #tpu.memory_space<vmem>> -> memref<128xi32, #tpu.memory_space<vmem>>
      %dma_wait3A_241 = arith.constant 0 : i32
      %dma_wait3A_242 = arith.constant 0 : i32
      %dma_wait3A_243 = tpu.memref_slice %arg9[%dma_wait3A_241, %dma_wait3A_242] : memref<10112x64xf32, #tpu.memory_space<vmem_shared>> -> memref<10112x64xf32, #tpu.memory_space<vmem_shared>>
      tpu.wait_indirect_dma semaphore(%arg22 : memref<!tpu.dma_semaphore, #tpu.memory_space<semaphore_mem>>) src(%arg13 : memref<128x64xf32, #tpu.memory_space<vmem>>) dst(%dma_wait3A_243 : memref<10112x64xf32, #tpu.memory_space<vmem_shared>>)
      %dma_start3A_244 = arith.constant 9 : i32
      %dma_start3A_245 = arith.constant 0 : i32
      %dma_start3A_246 = tpu.memref_slice %arg10[%dma_start3A_244, %dma_start3A_245] : memref<16x128xi32, #tpu.memory_space<vmem>> -> memref<1x128xi32, #tpu.memory_space<vmem>>
      %dma_start3A_247 = tpu.memref_squeeze %dma_start3A_246 : memref<1x128xi32, #tpu.memory_space<vmem>> -> memref<128xi32, #tpu.memory_space<vmem>>
      %dma_start3A_248 = arith.constant 0 : i32
      %dma_start3A_249 = arith.constant 0 : i32
      %dma_start3A_250 = tpu.memref_slice %arg8[%dma_start3A_248, %dma_start3A_249] : memref<10112x64xf32, #tpu.memory_space<vmem_shared>> -> memref<10112x64xf32, #tpu.memory_space<vmem_shared>>
      tpu.enqueue_indirect_dma source(%dma_start3A_250 : memref<10112x64xf32, #tpu.memory_space<vmem_shared>>) target(%arg13 : memref<128x64xf32, #tpu.memory_space<vmem>>) offsets(%dma_start3A_247 : memref<128xi32, #tpu.memory_space<vmem>>) semaphore(%arg18 : memref<!tpu.dma_semaphore, #tpu.memory_space<semaphore_mem>>)
      %dma_wait3A_251 = arith.constant 6 : i32
      %dma_wait3A_252 = arith.constant 0 : i32
      %dma_wait3A_253 = tpu.memref_slice %arg10[%dma_wait3A_251, %dma_wait3A_252] : memref<16x128xi32, #tpu.memory_space<vmem>> -> memref<1x128xi32, #tpu.memory_space<vmem>>
      %dma_wait3A_254 = tpu.memref_squeeze %dma_wait3A_253 : memref<1x128xi32, #tpu.memory_space<vmem>> -> memref<128xi32, #tpu.memory_space<vmem>>
      %dma_wait3A_255 = arith.constant 0 : i32
      %dma_wait3A_256 = arith.constant 0 : i32
      %dma_wait3A_257 = tpu.memref_slice %arg8[%dma_wait3A_255, %dma_wait3A_256] : memref<10112x64xf32, #tpu.memory_space<vmem_shared>> -> memref<10112x64xf32, #tpu.memory_space<vmem_shared>>
      tpu.wait_indirect_dma semaphore(%arg19 : memref<!tpu.dma_semaphore, #tpu.memory_space<semaphore_mem>>) src(%dma_wait3A_257 : memref<10112x64xf32, #tpu.memory_space<vmem_shared>>) dst(%arg14 : memref<128x64xf32, #tpu.memory_space<vmem>>)
      %dma_start3A_258 = arith.constant 6 : i32
      %dma_start3A_259 = arith.constant 0 : i32
      %dma_start3A_260 = tpu.memref_slice %arg11[%dma_start3A_258, %dma_start3A_259] : memref<16x128xi32, #tpu.memory_space<vmem>> -> memref<1x128xi32, #tpu.memory_space<vmem>>
      %dma_start3A_261 = tpu.memref_squeeze %dma_start3A_260 : memref<1x128xi32, #tpu.memory_space<vmem>> -> memref<128xi32, #tpu.memory_space<vmem>>
      %dma_start3A_262 = arith.constant 0 : i32
      %dma_start3A_263 = arith.constant 0 : i32
      %dma_start3A_264 = tpu.memref_slice %arg9[%dma_start3A_262, %dma_start3A_263] : memref<10112x64xf32, #tpu.memory_space<vmem_shared>> -> memref<10112x64xf32, #tpu.memory_space<vmem_shared>>
      tpu.enqueue_indirect_dma source(%arg14 : memref<128x64xf32, #tpu.memory_space<vmem>>) target(%dma_start3A_264 : memref<10112x64xf32, #tpu.memory_space<vmem_shared>>) offsets(%dma_start3A_261 : memref<128xi32, #tpu.memory_space<vmem>>) semaphore(%arg23 : memref<!tpu.dma_semaphore, #tpu.memory_space<semaphore_mem>>) {add = true}
      %scan3A_265 = arith.constant 0 : i32
      %scan3A_266 = arith.constant 0 : i32
      %scan3A_267 = arith.constant 8 : i32
      %scan3A_268 = arith.addi %scan3A_266, %scan3A_267 : i32
      %scan3A_269 = arith.constant 1 : i32
      scf.for %scan3A_563 = %scan3A_266 to %scan3A_268 step %scan3A_269  : i32 {
        %mul3A_564 = arith.constant 16 : i32
        %mul3A_565 = arith.muli %scan3A_563, %mul3A_564 : i32
        %get3A = arith.constant 6 : i32
        %get3A_566 = arith.index_cast %get3A : i32 to index
        %get3A_567 = arith.index_cast %mul3A_565 : i32 to index
        %get3A_568 = tpu.vector_load %arg11[%get3A_566, %get3A_567] {strides = array<i32>} : memref<16x128xi32, #tpu.memory_space<vmem>>, vector<16xi32>,
        tpu.vector_store_idx %arg16[%get3A_568], %broadcast_in_dim3A_5 {add = true} : memref<10112xf32, #tpu.memory_space<vmem>>[vector<16xi32>], vector<16xf32>,
      }
      %scan3A_270 = arith.constant 8 : i32
      %dma_wait3A_271 = arith.constant 6 : i32
      %dma_wait3A_272 = arith.constant 0 : i32
      %dma_wait3A_273 = tpu.memref_slice %arg11[%dma_wait3A_271, %dma_wait3A_272] : memref<16x128xi32, #tpu.memory_space<vmem>> -> memref<1x128xi32, #tpu.memory_space<vmem>>
      %dma_wait3A_274 = tpu.memref_squeeze %dma_wait3A_273 : memref<1x128xi32, #tpu.memory_space<vmem>> -> memref<128xi32, #tpu.memory_space<vmem>>
      %dma_wait3A_275 = arith.constant 0 : i32
      %dma_wait3A_276 = arith.constant 0 : i32
      %dma_wait3A_277 = tpu.memref_slice %arg9[%dma_wait3A_275, %dma_wait3A_276] : memref<10112x64xf32, #tpu.memory_space<vmem_shared>> -> memref<10112x64xf32, #tpu.memory_space<vmem_shared>>
      tpu.wait_indirect_dma semaphore(%arg23 : memref<!tpu.dma_semaphore, #tpu.memory_space<semaphore_mem>>) src(%arg14 : memref<128x64xf32, #tpu.memory_space<vmem>>) dst(%dma_wait3A_277 : memref<10112x64xf32, #tpu.memory_space<vmem_shared>>)
      %dma_start3A_278 = arith.constant 10 : i32
      %dma_start3A_279 = arith.constant 0 : i32
      %dma_start3A_280 = tpu.memref_slice %arg10[%dma_start3A_278, %dma_start3A_279] : memref<16x128xi32, #tpu.memory_space<vmem>> -> memref<1x128xi32, #tpu.memory_space<vmem>>
      %dma_start3A_281 = tpu.memref_squeeze %dma_start3A_280 : memref<1x128xi32, #tpu.memory_space<vmem>> -> memref<128xi32, #tpu.memory_space<vmem>>
      %dma_start3A_282 = arith.constant 0 : i32
      %dma_start3A_283 = arith.constant 0 : i32
      %dma_start3A_284 = tpu.memref_slice %arg8[%dma_start3A_282, %dma_start3A_283] : memref<10112x64xf32, #tpu.memory_space<vmem_shared>> -> memref<10112x64xf32, #tpu.memory_space<vmem_shared>>
      tpu.enqueue_indirect_dma source(%dma_start3A_284 : memref<10112x64xf32, #tpu.memory_space<vmem_shared>>) target(%arg14 : memref<128x64xf32, #tpu.memory_space<vmem>>) offsets(%dma_start3A_281 : memref<128xi32, #tpu.memory_space<vmem>>) semaphore(%arg19 : memref<!tpu.dma_semaphore, #tpu.memory_space<semaphore_mem>>)
      %dma_wait3A_285 = arith.constant 7 : i32
      %dma_wait3A_286 = arith.constant 0 : i32
      %dma_wait3A_287 = tpu.memref_slice %arg10[%dma_wait3A_285, %dma_wait3A_286] : memref<16x128xi32, #tpu.memory_space<vmem>> -> memref<1x128xi32, #tpu.memory_space<vmem>>
      %dma_wait3A_288 = tpu.memref_squeeze %dma_wait3A_287 : memref<1x128xi32, #tpu.memory_space<vmem>> -> memref<128xi32, #tpu.memory_space<vmem>>
      %dma_wait3A_289 = arith.constant 0 : i32
      %dma_wait3A_290 = arith.constant 0 : i32
      %dma_wait3A_291 = tpu.memref_slice %arg8[%dma_wait3A_289, %dma_wait3A_290] : memref<10112x64xf32, #tpu.memory_space<vmem_shared>> -> memref<10112x64xf32, #tpu.memory_space<vmem_shared>>
      tpu.wait_indirect_dma semaphore(%arg20 : memref<!tpu.dma_semaphore, #tpu.memory_space<semaphore_mem>>) src(%dma_wait3A_291 : memref<10112x64xf32, #tpu.memory_space<vmem_shared>>) dst(%arg15 : memref<128x64xf32, #tpu.memory_space<vmem>>)
      %dma_start3A_292 = arith.constant 7 : i32
      %dma_start3A_293 = arith.constant 0 : i32
      %dma_start3A_294 = tpu.memref_slice %arg11[%dma_start3A_292, %dma_start3A_293] : memref<16x128xi32, #tpu.memory_space<vmem>> -> memref<1x128xi32, #tpu.memory_space<vmem>>
      %dma_start3A_295 = tpu.memref_squeeze %dma_start3A_294 : memref<1x128xi32, #tpu.memory_space<vmem>> -> memref<128xi32, #tpu.memory_space<vmem>>
      %dma_start3A_296 = arith.constant 0 : i32
      %dma_start3A_297 = arith.constant 0 : i32
      %dma_start3A_298 = tpu.memref_slice %arg9[%dma_start3A_296, %dma_start3A_297] : memref<10112x64xf32, #tpu.memory_space<vmem_shared>> -> memref<10112x64xf32, #tpu.memory_space<vmem_shared>>
      tpu.enqueue_indirect_dma source(%arg15 : memref<128x64xf32, #tpu.memory_space<vmem>>) target(%dma_start3A_298 : memref<10112x64xf32, #tpu.memory_space<vmem_shared>>) offsets(%dma_start3A_295 : memref<128xi32, #tpu.memory_space<vmem>>) semaphore(%arg24 : memref<!tpu.dma_semaphore, #tpu.memory_space<semaphore_mem>>) {add = true}
      %scan3A_299 = arith.constant 0 : i32
      %scan3A_300 = arith.constant 0 : i32
      %scan3A_301 = arith.constant 8 : i32
      %scan3A_302 = arith.addi %scan3A_300, %scan3A_301 : i32
      %scan3A_303 = arith.constant 1 : i32
      scf.for %scan3A_563 = %scan3A_300 to %scan3A_302 step %scan3A_303  : i32 {
        %mul3A_564 = arith.constant 16 : i32
        %mul3A_565 = arith.muli %scan3A_563, %mul3A_564 : i32
        %get3A = arith.constant 7 : i32
        %get3A_566 = arith.index_cast %get3A : i32 to index
        %get3A_567 = arith.index_cast %mul3A_565 : i32 to index
        %get3A_568 = tpu.vector_load %arg11[%get3A_566, %get3A_567] {strides = array<i32>} : memref<16x128xi32, #tpu.memory_space<vmem>>, vector<16xi32>,
        tpu.vector_store_idx %arg16[%get3A_568], %broadcast_in_dim3A_5 {add = true} : memref<10112xf32, #tpu.memory_space<vmem>>[vector<16xi32>], vector<16xf32>,
      }
      %scan3A_304 = arith.constant 8 : i32
      %dma_wait3A_305 = arith.constant 7 : i32
      %dma_wait3A_306 = arith.constant 0 : i32
      %dma_wait3A_307 = tpu.memref_slice %arg11[%dma_wait3A_305, %dma_wait3A_306] : memref<16x128xi32, #tpu.memory_space<vmem>> -> memref<1x128xi32, #tpu.memory_space<vmem>>
      %dma_wait3A_308 = tpu.memref_squeeze %dma_wait3A_307 : memref<1x128xi32, #tpu.memory_space<vmem>> -> memref<128xi32, #tpu.memory_space<vmem>>
      %dma_wait3A_309 = arith.constant 0 : i32
      %dma_wait3A_310 = arith.constant 0 : i32
      %dma_wait3A_311 = tpu.memref_slice %arg9[%dma_wait3A_309, %dma_wait3A_310] : memref<10112x64xf32, #tpu.memory_space<vmem_shared>> -> memref<10112x64xf32, #tpu.memory_space<vmem_shared>>
      tpu.wait_indirect_dma semaphore(%arg24 : memref<!tpu.dma_semaphore, #tpu.memory_space<semaphore_mem>>) src(%arg15 : memref<128x64xf32, #tpu.memory_space<vmem>>) dst(%dma_wait3A_311 : memref<10112x64xf32, #tpu.memory_space<vmem_shared>>)
      %dma_start3A_312 = arith.constant 11 : i32
      %dma_start3A_313 = arith.constant 0 : i32
      %dma_start3A_314 = tpu.memref_slice %arg10[%dma_start3A_312, %dma_start3A_313] : memref<16x128xi32, #tpu.memory_space<vmem>> -> memref<1x128xi32, #tpu.memory_space<vmem>>
      %dma_start3A_315 = tpu.memref_squeeze %dma_start3A_314 : memref<1x128xi32, #tpu.memory_space<vmem>> -> memref<128xi32, #tpu.memory_space<vmem>>
      %dma_start3A_316 = arith.constant 0 : i32
      %dma_start3A_317 = arith.constant 0 : i32
      %dma_start3A_318 = tpu.memref_slice %arg8[%dma_start3A_316, %dma_start3A_317] : memref<10112x64xf32, #tpu.memory_space<vmem_shared>> -> memref<10112x64xf32, #tpu.memory_space<vmem_shared>>
      tpu.enqueue_indirect_dma source(%dma_start3A_318 : memref<10112x64xf32, #tpu.memory_space<vmem_shared>>) target(%arg15 : memref<128x64xf32, #tpu.memory_space<vmem>>) offsets(%dma_start3A_315 : memref<128xi32, #tpu.memory_space<vmem>>) semaphore(%arg20 : memref<!tpu.dma_semaphore, #tpu.memory_space<semaphore_mem>>)
      %dma_wait3A_319 = arith.constant 8 : i32
      %dma_wait3A_320 = arith.constant 0 : i32
      %dma_wait3A_321 = tpu.memref_slice %arg10[%dma_wait3A_319, %dma_wait3A_320] : memref<16x128xi32, #tpu.memory_space<vmem>> -> memref<1x128xi32, #tpu.memory_space<vmem>>
      %dma_wait3A_322 = tpu.memref_squeeze %dma_wait3A_321 : memref<1x128xi32, #tpu.memory_space<vmem>> -> memref<128xi32, #tpu.memory_space<vmem>>
      %dma_wait3A_323 = arith.constant 0 : i32
      %dma_wait3A_324 = arith.constant 0 : i32
      %dma_wait3A_325 = tpu.memref_slice %arg8[%dma_wait3A_323, %dma_wait3A_324] : memref<10112x64xf32, #tpu.memory_space<vmem_shared>> -> memref<10112x64xf32, #tpu.memory_space<vmem_shared>>
      tpu.wait_indirect_dma semaphore(%arg17 : memref<!tpu.dma_semaphore, #tpu.memory_space<semaphore_mem>>) src(%dma_wait3A_325 : memref<10112x64xf32, #tpu.memory_space<vmem_shared>>) dst(%arg12 : memref<128x64xf32, #tpu.memory_space<vmem>>)
      %dma_start3A_326 = arith.constant 8 : i32
      %dma_start3A_327 = arith.constant 0 : i32
      %dma_start3A_328 = tpu.memref_slice %arg11[%dma_start3A_326, %dma_start3A_327] : memref<16x128xi32, #tpu.memory_space<vmem>> -> memref<1x128xi32, #tpu.memory_space<vmem>>
      %dma_start3A_329 = tpu.memref_squeeze %dma_start3A_328 : memref<1x128xi32, #tpu.memory_space<vmem>> -> memref<128xi32, #tpu.memory_space<vmem>>
      %dma_start3A_330 = arith.constant 0 : i32
      %dma_start3A_331 = arith.constant 0 : i32
      %dma_start3A_332 = tpu.memref_slice %arg9[%dma_start3A_330, %dma_start3A_331] : memref<10112x64xf32, #tpu.memory_space<vmem_shared>> -> memref<10112x64xf32, #tpu.memory_space<vmem_shared>>
      tpu.enqueue_indirect_dma source(%arg12 : memref<128x64xf32, #tpu.memory_space<vmem>>) target(%dma_start3A_332 : memref<10112x64xf32, #tpu.memory_space<vmem_shared>>) offsets(%dma_start3A_329 : memref<128xi32, #tpu.memory_space<vmem>>) semaphore(%arg21 : memref<!tpu.dma_semaphore, #tpu.memory_space<semaphore_mem>>) {add = true}
      %scan3A_333 = arith.constant 0 : i32
      %scan3A_334 = arith.constant 0 : i32
      %scan3A_335 = arith.constant 8 : i32
      %scan3A_336 = arith.addi %scan3A_334, %scan3A_335 : i32
      %scan3A_337 = arith.constant 1 : i32
      scf.for %scan3A_563 = %scan3A_334 to %scan3A_336 step %scan3A_337  : i32 {
        %mul3A_564 = arith.constant 16 : i32
        %mul3A_565 = arith.muli %scan3A_563, %mul3A_564 : i32
        %get3A = arith.constant 8 : i32
        %get3A_566 = arith.index_cast %get3A : i32 to index
        %get3A_567 = arith.index_cast %mul3A_565 : i32 to index
        %get3A_568 = tpu.vector_load %arg11[%get3A_566, %get3A_567] {strides = array<i32>} : memref<16x128xi32, #tpu.memory_space<vmem>>, vector<16xi32>,
        tpu.vector_store_idx %arg16[%get3A_568], %broadcast_in_dim3A_5 {add = true} : memref<10112xf32, #tpu.memory_space<vmem>>[vector<16xi32>], vector<16xf32>,
      }
      %scan3A_338 = arith.constant 8 : i32
      %dma_wait3A_339 = arith.constant 8 : i32
      %dma_wait3A_340 = arith.constant 0 : i32
      %dma_wait3A_341 = tpu.memref_slice %arg11[%dma_wait3A_339, %dma_wait3A_340] : memref<16x128xi32, #tpu.memory_space<vmem>> -> memref<1x128xi32, #tpu.memory_space<vmem>>
      %dma_wait3A_342 = tpu.memref_squeeze %dma_wait3A_341 : memref<1x128xi32, #tpu.memory_space<vmem>> -> memref<128xi32, #tpu.memory_space<vmem>>
      %dma_wait3A_343 = arith.constant 0 : i32
      %dma_wait3A_344 = arith.constant 0 : i32
      %dma_wait3A_345 = tpu.memref_slice %arg9[%dma_wait3A_343, %dma_wait3A_344] : memref<10112x64xf32, #tpu.memory_space<vmem_shared>> -> memref<10112x64xf32, #tpu.memory_space<vmem_shared>>
      tpu.wait_indirect_dma semaphore(%arg21 : memref<!tpu.dma_semaphore, #tpu.memory_space<semaphore_mem>>) src(%arg12 : memref<128x64xf32, #tpu.memory_space<vmem>>) dst(%dma_wait3A_345 : memref<10112x64xf32, #tpu.memory_space<vmem_shared>>)
      %dma_start3A_346 = arith.constant 12 : i32
      %dma_start3A_347 = arith.constant 0 : i32
      %dma_start3A_348 = tpu.memref_slice %arg10[%dma_start3A_346, %dma_start3A_347] : memref<16x128xi32, #tpu.memory_space<vmem>> -> memref<1x128xi32, #tpu.memory_space<vmem>>
      %dma_start3A_349 = tpu.memref_squeeze %dma_start3A_348 : memref<1x128xi32, #tpu.memory_space<vmem>> -> memref<128xi32, #tpu.memory_space<vmem>>
      %dma_start3A_350 = arith.constant 0 : i32
      %dma_start3A_351 = arith.constant 0 : i32
      %dma_start3A_352 = tpu.memref_slice %arg8[%dma_start3A_350, %dma_start3A_351] : memref<10112x64xf32, #tpu.memory_space<vmem_shared>> -> memref<10112x64xf32, #tpu.memory_space<vmem_shared>>
      tpu.enqueue_indirect_dma source(%dma_start3A_352 : memref<10112x64xf32, #tpu.memory_space<vmem_shared>>) target(%arg12 : memref<128x64xf32, #tpu.memory_space<vmem>>) offsets(%dma_start3A_349 : memref<128xi32, #tpu.memory_space<vmem>>) semaphore(%arg17 : memref<!tpu.dma_semaphore, #tpu.memory_space<semaphore_mem>>)
      %dma_wait3A_353 = arith.constant 9 : i32
      %dma_wait3A_354 = arith.constant 0 : i32
      %dma_wait3A_355 = tpu.memref_slice %arg10[%dma_wait3A_353, %dma_wait3A_354] : memref<16x128xi32, #tpu.memory_space<vmem>> -> memref<1x128xi32, #tpu.memory_space<vmem>>
      %dma_wait3A_356 = tpu.memref_squeeze %dma_wait3A_355 : memref<1x128xi32, #tpu.memory_space<vmem>> -> memref<128xi32, #tpu.memory_space<vmem>>
      %dma_wait3A_357 = arith.constant 0 : i32
      %dma_wait3A_358 = arith.constant 0 : i32
      %dma_wait3A_359 = tpu.memref_slice %arg8[%dma_wait3A_357, %dma_wait3A_358] : memref<10112x64xf32, #tpu.memory_space<vmem_shared>> -> memref<10112x64xf32, #tpu.memory_space<vmem_shared>>
      tpu.wait_indirect_dma semaphore(%arg18 : memref<!tpu.dma_semaphore, #tpu.memory_space<semaphore_mem>>) src(%dma_wait3A_359 : memref<10112x64xf32, #tpu.memory_space<vmem_shared>>) dst(%arg13 : memref<128x64xf32, #tpu.memory_space<vmem>>)
      %dma_start3A_360 = arith.constant 9 : i32
      %dma_start3A_361 = arith.constant 0 : i32
      %dma_start3A_362 = tpu.memref_slice %arg11[%dma_start3A_360, %dma_start3A_361] : memref<16x128xi32, #tpu.memory_space<vmem>> -> memref<1x128xi32, #tpu.memory_space<vmem>>
      %dma_start3A_363 = tpu.memref_squeeze %dma_start3A_362 : memref<1x128xi32, #tpu.memory_space<vmem>> -> memref<128xi32, #tpu.memory_space<vmem>>
      %dma_start3A_364 = arith.constant 0 : i32
      %dma_start3A_365 = arith.constant 0 : i32
      %dma_start3A_366 = tpu.memref_slice %arg9[%dma_start3A_364, %dma_start3A_365] : memref<10112x64xf32, #tpu.memory_space<vmem_shared>> -> memref<10112x64xf32, #tpu.memory_space<vmem_shared>>
      tpu.enqueue_indirect_dma source(%arg13 : memref<128x64xf32, #tpu.memory_space<vmem>>) target(%dma_start3A_366 : memref<10112x64xf32, #tpu.memory_space<vmem_shared>>) offsets(%dma_start3A_363 : memref<128xi32, #tpu.memory_space<vmem>>) semaphore(%arg22 : memref<!tpu.dma_semaphore, #tpu.memory_space<semaphore_mem>>) {add = true}
      %scan3A_367 = arith.constant 0 : i32
      %scan3A_368 = arith.constant 0 : i32
      %scan3A_369 = arith.constant 8 : i32
      %scan3A_370 = arith.addi %scan3A_368, %scan3A_369 : i32
      %scan3A_371 = arith.constant 1 : i32
      scf.for %scan3A_563 = %scan3A_368 to %scan3A_370 step %scan3A_371  : i32 {
        %mul3A_564 = arith.constant 16 : i32
        %mul3A_565 = arith.muli %scan3A_563, %mul3A_564 : i32
        %get3A = arith.constant 9 : i32
        %get3A_566 = arith.index_cast %get3A : i32 to index
        %get3A_567 = arith.index_cast %mul3A_565 : i32 to index
        %get3A_568 = tpu.vector_load %arg11[%get3A_566, %get3A_567] {strides = array<i32>} : memref<16x128xi32, #tpu.memory_space<vmem>>, vector<16xi32>,
        tpu.vector_store_idx %arg16[%get3A_568], %broadcast_in_dim3A_5 {add = true} : memref<10112xf32, #tpu.memory_space<vmem>>[vector<16xi32>], vector<16xf32>,
      }
      %scan3A_372 = arith.constant 8 : i32
      %dma_wait3A_373 = arith.constant 9 : i32
      %dma_wait3A_374 = arith.constant 0 : i32
      %dma_wait3A_375 = tpu.memref_slice %arg11[%dma_wait3A_373, %dma_wait3A_374] : memref<16x128xi32, #tpu.memory_space<vmem>> -> memref<1x128xi32, #tpu.memory_space<vmem>>
      %dma_wait3A_376 = tpu.memref_squeeze %dma_wait3A_375 : memref<1x128xi32, #tpu.memory_space<vmem>> -> memref<128xi32, #tpu.memory_space<vmem>>
      %dma_wait3A_377 = arith.constant 0 : i32
      %dma_wait3A_378 = arith.constant 0 : i32
      %dma_wait3A_379 = tpu.memref_slice %arg9[%dma_wait3A_377, %dma_wait3A_378] : memref<10112x64xf32, #tpu.memory_space<vmem_shared>> -> memref<10112x64xf32, #tpu.memory_space<vmem_shared>>
      tpu.wait_indirect_dma semaphore(%arg22 : memref<!tpu.dma_semaphore, #tpu.memory_space<semaphore_mem>>) src(%arg13 : memref<128x64xf32, #tpu.memory_space<vmem>>) dst(%dma_wait3A_379 : memref<10112x64xf32, #tpu.memory_space<vmem_shared>>)
      %dma_start3A_380 = arith.constant 13 : i32
      %dma_start3A_381 = arith.constant 0 : i32
      %dma_start3A_382 = tpu.memref_slice %arg10[%dma_start3A_380, %dma_start3A_381] : memref<16x128xi32, #tpu.memory_space<vmem>> -> memref<1x128xi32, #tpu.memory_space<vmem>>
      %dma_start3A_383 = tpu.memref_squeeze %dma_start3A_382 : memref<1x128xi32, #tpu.memory_space<vmem>> -> memref<128xi32, #tpu.memory_space<vmem>>
      %dma_start3A_384 = arith.constant 0 : i32
      %dma_start3A_385 = arith.constant 0 : i32
      %dma_start3A_386 = tpu.memref_slice %arg8[%dma_start3A_384, %dma_start3A_385] : memref<10112x64xf32, #tpu.memory_space<vmem_shared>> -> memref<10112x64xf32, #tpu.memory_space<vmem_shared>>
      tpu.enqueue_indirect_dma source(%dma_start3A_386 : memref<10112x64xf32, #tpu.memory_space<vmem_shared>>) target(%arg13 : memref<128x64xf32, #tpu.memory_space<vmem>>) offsets(%dma_start3A_383 : memref<128xi32, #tpu.memory_space<vmem>>) semaphore(%arg18 : memref<!tpu.dma_semaphore, #tpu.memory_space<semaphore_mem>>)
      %dma_wait3A_387 = arith.constant 10 : i32
      %dma_wait3A_388 = arith.constant 0 : i32
      %dma_wait3A_389 = tpu.memref_slice %arg10[%dma_wait3A_387, %dma_wait3A_388] : memref<16x128xi32, #tpu.memory_space<vmem>> -> memref<1x128xi32, #tpu.memory_space<vmem>>
      %dma_wait3A_390 = tpu.memref_squeeze %dma_wait3A_389 : memref<1x128xi32, #tpu.memory_space<vmem>> -> memref<128xi32, #tpu.memory_space<vmem>>
      %dma_wait3A_391 = arith.constant 0 : i32
      %dma_wait3A_392 = arith.constant 0 : i32
      %dma_wait3A_393 = tpu.memref_slice %arg8[%dma_wait3A_391, %dma_wait3A_392] : memref<10112x64xf32, #tpu.memory_space<vmem_shared>> -> memref<10112x64xf32, #tpu.memory_space<vmem_shared>>
      tpu.wait_indirect_dma semaphore(%arg19 : memref<!tpu.dma_semaphore, #tpu.memory_space<semaphore_mem>>) src(%dma_wait3A_393 : memref<10112x64xf32, #tpu.memory_space<vmem_shared>>) dst(%arg14 : memref<128x64xf32, #tpu.memory_space<vmem>>)
      %dma_start3A_394 = arith.constant 10 : i32
      %dma_start3A_395 = arith.constant 0 : i32
      %dma_start3A_396 = tpu.memref_slice %arg11[%dma_start3A_394, %dma_start3A_395] : memref<16x128xi32, #tpu.memory_space<vmem>> -> memref<1x128xi32, #tpu.memory_space<vmem>>
      %dma_start3A_397 = tpu.memref_squeeze %dma_start3A_396 : memref<1x128xi32, #tpu.memory_space<vmem>> -> memref<128xi32, #tpu.memory_space<vmem>>
      %dma_start3A_398 = arith.constant 0 : i32
      %dma_start3A_399 = arith.constant 0 : i32
      %dma_start3A_400 = tpu.memref_slice %arg9[%dma_start3A_398, %dma_start3A_399] : memref<10112x64xf32, #tpu.memory_space<vmem_shared>> -> memref<10112x64xf32, #tpu.memory_space<vmem_shared>>
      tpu.enqueue_indirect_dma source(%arg14 : memref<128x64xf32, #tpu.memory_space<vmem>>) target(%dma_start3A_400 : memref<10112x64xf32, #tpu.memory_space<vmem_shared>>) offsets(%dma_start3A_397 : memref<128xi32, #tpu.memory_space<vmem>>) semaphore(%arg23 : memref<!tpu.dma_semaphore, #tpu.memory_space<semaphore_mem>>) {add = true}
      %scan3A_401 = arith.constant 0 : i32
      %scan3A_402 = arith.constant 0 : i32
      %scan3A_403 = arith.constant 8 : i32
      %scan3A_404 = arith.addi %scan3A_402, %scan3A_403 : i32
      %scan3A_405 = arith.constant 1 : i32
      scf.for %scan3A_563 = %scan3A_402 to %scan3A_404 step %scan3A_405  : i32 {
        %mul3A_564 = arith.constant 16 : i32
        %mul3A_565 = arith.muli %scan3A_563, %mul3A_564 : i32
        %get3A = arith.constant 10 : i32
        %get3A_566 = arith.index_cast %get3A : i32 to index
        %get3A_567 = arith.index_cast %mul3A_565 : i32 to index
        %get3A_568 = tpu.vector_load %arg11[%get3A_566, %get3A_567] {strides = array<i32>} : memref<16x128xi32, #tpu.memory_space<vmem>>, vector<16xi32>,
        tpu.vector_store_idx %arg16[%get3A_568], %broadcast_in_dim3A_5 {add = true} : memref<10112xf32, #tpu.memory_space<vmem>>[vector<16xi32>], vector<16xf32>,
      }
      %scan3A_406 = arith.constant 8 : i32
      %dma_wait3A_407 = arith.constant 10 : i32
      %dma_wait3A_408 = arith.constant 0 : i32
      %dma_wait3A_409 = tpu.memref_slice %arg11[%dma_wait3A_407, %dma_wait3A_408] : memref<16x128xi32, #tpu.memory_space<vmem>> -> memref<1x128xi32, #tpu.memory_space<vmem>>
      %dma_wait3A_410 = tpu.memref_squeeze %dma_wait3A_409 : memref<1x128xi32, #tpu.memory_space<vmem>> -> memref<128xi32, #tpu.memory_space<vmem>>
      %dma_wait3A_411 = arith.constant 0 : i32
      %dma_wait3A_412 = arith.constant 0 : i32
      %dma_wait3A_413 = tpu.memref_slice %arg9[%dma_wait3A_411, %dma_wait3A_412] : memref<10112x64xf32, #tpu.memory_space<vmem_shared>> -> memref<10112x64xf32, #tpu.memory_space<vmem_shared>>
      tpu.wait_indirect_dma semaphore(%arg23 : memref<!tpu.dma_semaphore, #tpu.memory_space<semaphore_mem>>) src(%arg14 : memref<128x64xf32, #tpu.memory_space<vmem>>) dst(%dma_wait3A_413 : memref<10112x64xf32, #tpu.memory_space<vmem_shared>>)
      %dma_start3A_414 = arith.constant 14 : i32
      %dma_start3A_415 = arith.constant 0 : i32
      %dma_start3A_416 = tpu.memref_slice %arg10[%dma_start3A_414, %dma_start3A_415] : memref<16x128xi32, #tpu.memory_space<vmem>> -> memref<1x128xi32, #tpu.memory_space<vmem>>
      %dma_start3A_417 = tpu.memref_squeeze %dma_start3A_416 : memref<1x128xi32, #tpu.memory_space<vmem>> -> memref<128xi32, #tpu.memory_space<vmem>>
      %dma_start3A_418 = arith.constant 0 : i32
      %dma_start3A_419 = arith.constant 0 : i32
      %dma_start3A_420 = tpu.memref_slice %arg8[%dma_start3A_418, %dma_start3A_419] : memref<10112x64xf32, #tpu.memory_space<vmem_shared>> -> memref<10112x64xf32, #tpu.memory_space<vmem_shared>>
      tpu.enqueue_indirect_dma source(%dma_start3A_420 : memref<10112x64xf32, #tpu.memory_space<vmem_shared>>) target(%arg14 : memref<128x64xf32, #tpu.memory_space<vmem>>) offsets(%dma_start3A_417 : memref<128xi32, #tpu.memory_space<vmem>>) semaphore(%arg19 : memref<!tpu.dma_semaphore, #tpu.memory_space<semaphore_mem>>)
      %dma_wait3A_421 = arith.constant 11 : i32
      %dma_wait3A_422 = arith.constant 0 : i32
      %dma_wait3A_423 = tpu.memref_slice %arg10[%dma_wait3A_421, %dma_wait3A_422] : memref<16x128xi32, #tpu.memory_space<vmem>> -> memref<1x128xi32, #tpu.memory_space<vmem>>
      %dma_wait3A_424 = tpu.memref_squeeze %dma_wait3A_423 : memref<1x128xi32, #tpu.memory_space<vmem>> -> memref<128xi32, #tpu.memory_space<vmem>>
      %dma_wait3A_425 = arith.constant 0 : i32
      %dma_wait3A_426 = arith.constant 0 : i32
      %dma_wait3A_427 = tpu.memref_slice %arg8[%dma_wait3A_425, %dma_wait3A_426] : memref<10112x64xf32, #tpu.memory_space<vmem_shared>> -> memref<10112x64xf32, #tpu.memory_space<vmem_shared>>
      tpu.wait_indirect_dma semaphore(%arg20 : memref<!tpu.dma_semaphore, #tpu.memory_space<semaphore_mem>>) src(%dma_wait3A_427 : memref<10112x64xf32, #tpu.memory_space<vmem_shared>>) dst(%arg15 : memref<128x64xf32, #tpu.memory_space<vmem>>)
      %dma_start3A_428 = arith.constant 11 : i32
      %dma_start3A_429 = arith.constant 0 : i32
      %dma_start3A_430 = tpu.memref_slice %arg11[%dma_start3A_428, %dma_start3A_429] : memref<16x128xi32, #tpu.memory_space<vmem>> -> memref<1x128xi32, #tpu.memory_space<vmem>>
      %dma_start3A_431 = tpu.memref_squeeze %dma_start3A_430 : memref<1x128xi32, #tpu.memory_space<vmem>> -> memref<128xi32, #tpu.memory_space<vmem>>
      %dma_start3A_432 = arith.constant 0 : i32
      %dma_start3A_433 = arith.constant 0 : i32
      %dma_start3A_434 = tpu.memref_slice %arg9[%dma_start3A_432, %dma_start3A_433] : memref<10112x64xf32, #tpu.memory_space<vmem_shared>> -> memref<10112x64xf32, #tpu.memory_space<vmem_shared>>
      tpu.enqueue_indirect_dma source(%arg15 : memref<128x64xf32, #tpu.memory_space<vmem>>) target(%dma_start3A_434 : memref<10112x64xf32, #tpu.memory_space<vmem_shared>>) offsets(%dma_start3A_431 : memref<128xi32, #tpu.memory_space<vmem>>) semaphore(%arg24 : memref<!tpu.dma_semaphore, #tpu.memory_space<semaphore_mem>>) {add = true}
      %scan3A_435 = arith.constant 0 : i32
      %scan3A_436 = arith.constant 0 : i32
      %scan3A_437 = arith.constant 8 : i32
      %scan3A_438 = arith.addi %scan3A_436, %scan3A_437 : i32
      %scan3A_439 = arith.constant 1 : i32
      scf.for %scan3A_563 = %scan3A_436 to %scan3A_438 step %scan3A_439  : i32 {
        %mul3A_564 = arith.constant 16 : i32
        %mul3A_565 = arith.muli %scan3A_563, %mul3A_564 : i32
        %get3A = arith.constant 11 : i32
        %get3A_566 = arith.index_cast %get3A : i32 to index
        %get3A_567 = arith.index_cast %mul3A_565 : i32 to index
        %get3A_568 = tpu.vector_load %arg11[%get3A_566, %get3A_567] {strides = array<i32>} : memref<16x128xi32, #tpu.memory_space<vmem>>, vector<16xi32>,
        tpu.vector_store_idx %arg16[%get3A_568], %broadcast_in_dim3A_5 {add = true} : memref<10112xf32, #tpu.memory_space<vmem>>[vector<16xi32>], vector<16xf32>,
      }
      %scan3A_440 = arith.constant 8 : i32
      %dma_wait3A_441 = arith.constant 11 : i32
      %dma_wait3A_442 = arith.constant 0 : i32
      %dma_wait3A_443 = tpu.memref_slice %arg11[%dma_wait3A_441, %dma_wait3A_442] : memref<16x128xi32, #tpu.memory_space<vmem>> -> memref<1x128xi32, #tpu.memory_space<vmem>>
      %dma_wait3A_444 = tpu.memref_squeeze %dma_wait3A_443 : memref<1x128xi32, #tpu.memory_space<vmem>> -> memref<128xi32, #tpu.memory_space<vmem>>
      %dma_wait3A_445 = arith.constant 0 : i32
      %dma_wait3A_446 = arith.constant 0 : i32
      %dma_wait3A_447 = tpu.memref_slice %arg9[%dma_wait3A_445, %dma_wait3A_446] : memref<10112x64xf32, #tpu.memory_space<vmem_shared>> -> memref<10112x64xf32, #tpu.memory_space<vmem_shared>>
      tpu.wait_indirect_dma semaphore(%arg24 : memref<!tpu.dma_semaphore, #tpu.memory_space<semaphore_mem>>) src(%arg15 : memref<128x64xf32, #tpu.memory_space<vmem>>) dst(%dma_wait3A_447 : memref<10112x64xf32, #tpu.memory_space<vmem_shared>>)
      %dma_start3A_448 = arith.constant 15 : i32
      %dma_start3A_449 = arith.constant 0 : i32
      %dma_start3A_450 = tpu.memref_slice %arg10[%dma_start3A_448, %dma_start3A_449] : memref<16x128xi32, #tpu.memory_space<vmem>> -> memref<1x128xi32, #tpu.memory_space<vmem>>
      %dma_start3A_451 = tpu.memref_squeeze %dma_start3A_450 : memref<1x128xi32, #tpu.memory_space<vmem>> -> memref<128xi32, #tpu.memory_space<vmem>>
      %dma_start3A_452 = arith.constant 0 : i32
      %dma_start3A_453 = arith.constant 0 : i32
      %dma_start3A_454 = tpu.memref_slice %arg8[%dma_start3A_452, %dma_start3A_453] : memref<10112x64xf32, #tpu.memory_space<vmem_shared>> -> memref<10112x64xf32, #tpu.memory_space<vmem_shared>>
      tpu.enqueue_indirect_dma source(%dma_start3A_454 : memref<10112x64xf32, #tpu.memory_space<vmem_shared>>) target(%arg15 : memref<128x64xf32, #tpu.memory_space<vmem>>) offsets(%dma_start3A_451 : memref<128xi32, #tpu.memory_space<vmem>>) semaphore(%arg20 : memref<!tpu.dma_semaphore, #tpu.memory_space<semaphore_mem>>)
      %dma_wait3A_455 = arith.constant 12 : i32
      %dma_wait3A_456 = arith.constant 0 : i32
      %dma_wait3A_457 = tpu.memref_slice %arg10[%dma_wait3A_455, %dma_wait3A_456] : memref<16x128xi32, #tpu.memory_space<vmem>> -> memref<1x128xi32, #tpu.memory_space<vmem>>
      %dma_wait3A_458 = tpu.memref_squeeze %dma_wait3A_457 : memref<1x128xi32, #tpu.memory_space<vmem>> -> memref<128xi32, #tpu.memory_space<vmem>>
      %dma_wait3A_459 = arith.constant 0 : i32
      %dma_wait3A_460 = arith.constant 0 : i32
      %dma_wait3A_461 = tpu.memref_slice %arg8[%dma_wait3A_459, %dma_wait3A_460] : memref<10112x64xf32, #tpu.memory_space<vmem_shared>> -> memref<10112x64xf32, #tpu.memory_space<vmem_shared>>
      tpu.wait_indirect_dma semaphore(%arg17 : memref<!tpu.dma_semaphore, #tpu.memory_space<semaphore_mem>>) src(%dma_wait3A_461 : memref<10112x64xf32, #tpu.memory_space<vmem_shared>>) dst(%arg12 : memref<128x64xf32, #tpu.memory_space<vmem>>)
      %dma_start3A_462 = arith.constant 12 : i32
      %dma_start3A_463 = arith.constant 0 : i32
      %dma_start3A_464 = tpu.memref_slice %arg11[%dma_start3A_462, %dma_start3A_463] : memref<16x128xi32, #tpu.memory_space<vmem>> -> memref<1x128xi32, #tpu.memory_space<vmem>>
      %dma_start3A_465 = tpu.memref_squeeze %dma_start3A_464 : memref<1x128xi32, #tpu.memory_space<vmem>> -> memref<128xi32, #tpu.memory_space<vmem>>
      %dma_start3A_466 = arith.constant 0 : i32
      %dma_start3A_467 = arith.constant 0 : i32
      %dma_start3A_468 = tpu.memref_slice %arg9[%dma_start3A_466, %dma_start3A_467] : memref<10112x64xf32, #tpu.memory_space<vmem_shared>> -> memref<10112x64xf32, #tpu.memory_space<vmem_shared>>
      tpu.enqueue_indirect_dma source(%arg12 : memref<128x64xf32, #tpu.memory_space<vmem>>) target(%dma_start3A_468 : memref<10112x64xf32, #tpu.memory_space<vmem_shared>>) offsets(%dma_start3A_465 : memref<128xi32, #tpu.memory_space<vmem>>) semaphore(%arg21 : memref<!tpu.dma_semaphore, #tpu.memory_space<semaphore_mem>>) {add = true}
      %scan3A_469 = arith.constant 0 : i32
      %scan3A_470 = arith.constant 0 : i32
      %scan3A_471 = arith.constant 8 : i32
      %scan3A_472 = arith.addi %scan3A_470, %scan3A_471 : i32
      %scan3A_473 = arith.constant 1 : i32
      scf.for %scan3A_563 = %scan3A_470 to %scan3A_472 step %scan3A_473  : i32 {
        %mul3A_564 = arith.constant 16 : i32
        %mul3A_565 = arith.muli %scan3A_563, %mul3A_564 : i32
        %get3A = arith.constant 12 : i32
        %get3A_566 = arith.index_cast %get3A : i32 to index
        %get3A_567 = arith.index_cast %mul3A_565 : i32 to index
        %get3A_568 = tpu.vector_load %arg11[%get3A_566, %get3A_567] {strides = array<i32>} : memref<16x128xi32, #tpu.memory_space<vmem>>, vector<16xi32>,
        tpu.vector_store_idx %arg16[%get3A_568], %broadcast_in_dim3A_5 {add = true} : memref<10112xf32, #tpu.memory_space<vmem>>[vector<16xi32>], vector<16xf32>,
      }
      %scan3A_474 = arith.constant 8 : i32
      %dma_wait3A_475 = arith.constant 13 : i32
      %dma_wait3A_476 = arith.constant 0 : i32
      %dma_wait3A_477 = tpu.memref_slice %arg10[%dma_wait3A_475, %dma_wait3A_476] : memref<16x128xi32, #tpu.memory_space<vmem>> -> memref<1x128xi32, #tpu.memory_space<vmem>>
      %dma_wait3A_478 = tpu.memref_squeeze %dma_wait3A_477 : memref<1x128xi32, #tpu.memory_space<vmem>> -> memref<128xi32, #tpu.memory_space<vmem>>
      %dma_wait3A_479 = arith.constant 0 : i32
      %dma_wait3A_480 = arith.constant 0 : i32
      %dma_wait3A_481 = tpu.memref_slice %arg8[%dma_wait3A_479, %dma_wait3A_480] : memref<10112x64xf32, #tpu.memory_space<vmem_shared>> -> memref<10112x64xf32, #tpu.memory_space<vmem_shared>>
      tpu.wait_indirect_dma semaphore(%arg18 : memref<!tpu.dma_semaphore, #tpu.memory_space<semaphore_mem>>) src(%dma_wait3A_481 : memref<10112x64xf32, #tpu.memory_space<vmem_shared>>) dst(%arg13 : memref<128x64xf32, #tpu.memory_space<vmem>>)
      %dma_start3A_482 = arith.constant 13 : i32
      %dma_start3A_483 = arith.constant 0 : i32
      %dma_start3A_484 = tpu.memref_slice %arg11[%dma_start3A_482, %dma_start3A_483] : memref<16x128xi32, #tpu.memory_space<vmem>> -> memref<1x128xi32, #tpu.memory_space<vmem>>
      %dma_start3A_485 = tpu.memref_squeeze %dma_start3A_484 : memref<1x128xi32, #tpu.memory_space<vmem>> -> memref<128xi32, #tpu.memory_space<vmem>>
      %dma_start3A_486 = arith.constant 0 : i32
      %dma_start3A_487 = arith.constant 0 : i32
      %dma_start3A_488 = tpu.memref_slice %arg9[%dma_start3A_486, %dma_start3A_487] : memref<10112x64xf32, #tpu.memory_space<vmem_shared>> -> memref<10112x64xf32, #tpu.memory_space<vmem_shared>>
      tpu.enqueue_indirect_dma source(%arg13 : memref<128x64xf32, #tpu.memory_space<vmem>>) target(%dma_start3A_488 : memref<10112x64xf32, #tpu.memory_space<vmem_shared>>) offsets(%dma_start3A_485 : memref<128xi32, #tpu.memory_space<vmem>>) semaphore(%arg22 : memref<!tpu.dma_semaphore, #tpu.memory_space<semaphore_mem>>) {add = true}
      %scan3A_489 = arith.constant 0 : i32
      %scan3A_490 = arith.constant 0 : i32
      %scan3A_491 = arith.constant 8 : i32
      %scan3A_492 = arith.addi %scan3A_490, %scan3A_491 : i32
      %scan3A_493 = arith.constant 1 : i32
      scf.for %scan3A_563 = %scan3A_490 to %scan3A_492 step %scan3A_493  : i32 {
        %mul3A_564 = arith.constant 16 : i32
        %mul3A_565 = arith.muli %scan3A_563, %mul3A_564 : i32
        %get3A = arith.constant 13 : i32
        %get3A_566 = arith.index_cast %get3A : i32 to index
        %get3A_567 = arith.index_cast %mul3A_565 : i32 to index
        %get3A_568 = tpu.vector_load %arg11[%get3A_566, %get3A_567] {strides = array<i32>} : memref<16x128xi32, #tpu.memory_space<vmem>>, vector<16xi32>,
        tpu.vector_store_idx %arg16[%get3A_568], %broadcast_in_dim3A_5 {add = true} : memref<10112xf32, #tpu.memory_space<vmem>>[vector<16xi32>], vector<16xf32>,
      }
      %scan3A_494 = arith.constant 8 : i32
      %dma_wait3A_495 = arith.constant 14 : i32
      %dma_wait3A_496 = arith.constant 0 : i32
      %dma_wait3A_497 = tpu.memref_slice %arg10[%dma_wait3A_495, %dma_wait3A_496] : memref<16x128xi32, #tpu.memory_space<vmem>> -> memref<1x128xi32, #tpu.memory_space<vmem>>
      %dma_wait3A_498 = tpu.memref_squeeze %dma_wait3A_497 : memref<1x128xi32, #tpu.memory_space<vmem>> -> memref<128xi32, #tpu.memory_space<vmem>>
      %dma_wait3A_499 = arith.constant 0 : i32
      %dma_wait3A_500 = arith.constant 0 : i32
      %dma_wait3A_501 = tpu.memref_slice %arg8[%dma_wait3A_499, %dma_wait3A_500] : memref<10112x64xf32, #tpu.memory_space<vmem_shared>> -> memref<10112x64xf32, #tpu.memory_space<vmem_shared>>
      tpu.wait_indirect_dma semaphore(%arg19 : memref<!tpu.dma_semaphore, #tpu.memory_space<semaphore_mem>>) src(%dma_wait3A_501 : memref<10112x64xf32, #tpu.memory_space<vmem_shared>>) dst(%arg14 : memref<128x64xf32, #tpu.memory_space<vmem>>)
      %dma_start3A_502 = arith.constant 14 : i32
      %dma_start3A_503 = arith.constant 0 : i32
      %dma_start3A_504 = tpu.memref_slice %arg11[%dma_start3A_502, %dma_start3A_503] : memref<16x128xi32, #tpu.memory_space<vmem>> -> memref<1x128xi32, #tpu.memory_space<vmem>>
      %dma_start3A_505 = tpu.memref_squeeze %dma_start3A_504 : memref<1x128xi32, #tpu.memory_space<vmem>> -> memref<128xi32, #tpu.memory_space<vmem>>
      %dma_start3A_506 = arith.constant 0 : i32
      %dma_start3A_507 = arith.constant 0 : i32
      %dma_start3A_508 = tpu.memref_slice %arg9[%dma_start3A_506, %dma_start3A_507] : memref<10112x64xf32, #tpu.memory_space<vmem_shared>> -> memref<10112x64xf32, #tpu.memory_space<vmem_shared>>
      tpu.enqueue_indirect_dma source(%arg14 : memref<128x64xf32, #tpu.memory_space<vmem>>) target(%dma_start3A_508 : memref<10112x64xf32, #tpu.memory_space<vmem_shared>>) offsets(%dma_start3A_505 : memref<128xi32, #tpu.memory_space<vmem>>) semaphore(%arg23 : memref<!tpu.dma_semaphore, #tpu.memory_space<semaphore_mem>>) {add = true}
      %scan3A_509 = arith.constant 0 : i32
      %scan3A_510 = arith.constant 0 : i32
      %scan3A_511 = arith.constant 8 : i32
      %scan3A_512 = arith.addi %scan3A_510, %scan3A_511 : i32
      %scan3A_513 = arith.constant 1 : i32
      scf.for %scan3A_563 = %scan3A_510 to %scan3A_512 step %scan3A_513  : i32 {
        %mul3A_564 = arith.constant 16 : i32
        %mul3A_565 = arith.muli %scan3A_563, %mul3A_564 : i32
        %get3A = arith.constant 14 : i32
        %get3A_566 = arith.index_cast %get3A : i32 to index
        %get3A_567 = arith.index_cast %mul3A_565 : i32 to index
        %get3A_568 = tpu.vector_load %arg11[%get3A_566, %get3A_567] {strides = array<i32>} : memref<16x128xi32, #tpu.memory_space<vmem>>, vector<16xi32>,
        tpu.vector_store_idx %arg16[%get3A_568], %broadcast_in_dim3A_5 {add = true} : memref<10112xf32, #tpu.memory_space<vmem>>[vector<16xi32>], vector<16xf32>,
      }
      %scan3A_514 = arith.constant 8 : i32
      %dma_wait3A_515 = arith.constant 15 : i32
      %dma_wait3A_516 = arith.constant 0 : i32
      %dma_wait3A_517 = tpu.memref_slice %arg10[%dma_wait3A_515, %dma_wait3A_516] : memref<16x128xi32, #tpu.memory_space<vmem>> -> memref<1x128xi32, #tpu.memory_space<vmem>>
      %dma_wait3A_518 = tpu.memref_squeeze %dma_wait3A_517 : memref<1x128xi32, #tpu.memory_space<vmem>> -> memref<128xi32, #tpu.memory_space<vmem>>
      %dma_wait3A_519 = arith.constant 0 : i32
      %dma_wait3A_520 = arith.constant 0 : i32
      %dma_wait3A_521 = tpu.memref_slice %arg8[%dma_wait3A_519, %dma_wait3A_520] : memref<10112x64xf32, #tpu.memory_space<vmem_shared>> -> memref<10112x64xf32, #tpu.memory_space<vmem_shared>>
      tpu.wait_indirect_dma semaphore(%arg20 : memref<!tpu.dma_semaphore, #tpu.memory_space<semaphore_mem>>) src(%dma_wait3A_521 : memref<10112x64xf32, #tpu.memory_space<vmem_shared>>) dst(%arg15 : memref<128x64xf32, #tpu.memory_space<vmem>>)
      %dma_start3A_522 = arith.constant 15 : i32
      %dma_start3A_523 = arith.constant 0 : i32
      %dma_start3A_524 = tpu.memref_slice %arg11[%dma_start3A_522, %dma_start3A_523] : memref<16x128xi32, #tpu.memory_space<vmem>> -> memref<1x128xi32, #tpu.memory_space<vmem>>
      %dma_start3A_525 = tpu.memref_squeeze %dma_start3A_524 : memref<1x128xi32, #tpu.memory_space<vmem>> -> memref<128xi32, #tpu.memory_space<vmem>>
      %dma_start3A_526 = arith.constant 0 : i32
      %dma_start3A_527 = arith.constant 0 : i32
      %dma_start3A_528 = tpu.memref_slice %arg9[%dma_start3A_526, %dma_start3A_527] : memref<10112x64xf32, #tpu.memory_space<vmem_shared>> -> memref<10112x64xf32, #tpu.memory_space<vmem_shared>>
      tpu.enqueue_indirect_dma source(%arg15 : memref<128x64xf32, #tpu.memory_space<vmem>>) target(%dma_start3A_528 : memref<10112x64xf32, #tpu.memory_space<vmem_shared>>) offsets(%dma_start3A_525 : memref<128xi32, #tpu.memory_space<vmem>>) semaphore(%arg24 : memref<!tpu.dma_semaphore, #tpu.memory_space<semaphore_mem>>) {add = true}
      %scan3A_529 = arith.constant 0 : i32
      %scan3A_530 = arith.constant 0 : i32
      %scan3A_531 = arith.constant 8 : i32
      %scan3A_532 = arith.addi %scan3A_530, %scan3A_531 : i32
      %scan3A_533 = arith.constant 1 : i32
      scf.for %scan3A_563 = %scan3A_530 to %scan3A_532 step %scan3A_533  : i32 {
        %mul3A_564 = arith.constant 16 : i32
        %mul3A_565 = arith.muli %scan3A_563, %mul3A_564 : i32
        %get3A = arith.constant 15 : i32
        %get3A_566 = arith.index_cast %get3A : i32 to index
        %get3A_567 = arith.index_cast %mul3A_565 : i32 to index
        %get3A_568 = tpu.vector_load %arg11[%get3A_566, %get3A_567] {strides = array<i32>} : memref<16x128xi32, #tpu.memory_space<vmem>>, vector<16xi32>,
        tpu.vector_store_idx %arg16[%get3A_568], %broadcast_in_dim3A_5 {add = true} : memref<10112xf32, #tpu.memory_space<vmem>>[vector<16xi32>], vector<16xf32>,
      }
      %scan3A_534 = arith.constant 8 : i32
      %dma_wait3A_535 = arith.constant 12 : i32
      %dma_wait3A_536 = arith.constant 0 : i32
      %dma_wait3A_537 = tpu.memref_slice %arg11[%dma_wait3A_535, %dma_wait3A_536] : memref<16x128xi32, #tpu.memory_space<vmem>> -> memref<1x128xi32, #tpu.memory_space<vmem>>
      %dma_wait3A_538 = tpu.memref_squeeze %dma_wait3A_537 : memref<1x128xi32, #tpu.memory_space<vmem>> -> memref<128xi32, #tpu.memory_space<vmem>>
      %dma_wait3A_539 = arith.constant 0 : i32
      %dma_wait3A_540 = arith.constant 0 : i32
      %dma_wait3A_541 = tpu.memref_slice %arg9[%dma_wait3A_539, %dma_wait3A_540] : memref<10112x64xf32, #tpu.memory_space<vmem_shared>> -> memref<10112x64xf32, #tpu.memory_space<vmem_shared>>
      tpu.wait_indirect_dma semaphore(%arg21 : memref<!tpu.dma_semaphore, #tpu.memory_space<semaphore_mem>>) src(%arg12 : memref<128x64xf32, #tpu.memory_space<vmem>>) dst(%dma_wait3A_541 : memref<10112x64xf32, #tpu.memory_space<vmem_shared>>)
      %dma_wait3A_542 = arith.constant 13 : i32
      %dma_wait3A_543 = arith.constant 0 : i32
      %dma_wait3A_544 = tpu.memref_slice %arg11[%dma_wait3A_542, %dma_wait3A_543] : memref<16x128xi32, #tpu.memory_space<vmem>> -> memref<1x128xi32, #tpu.memory_space<vmem>>
      %dma_wait3A_545 = tpu.memref_squeeze %dma_wait3A_544 : memref<1x128xi32, #tpu.memory_space<vmem>> -> memref<128xi32, #tpu.memory_space<vmem>>
      %dma_wait3A_546 = arith.constant 0 : i32
      %dma_wait3A_547 = arith.constant 0 : i32
      %dma_wait3A_548 = tpu.memref_slice %arg9[%dma_wait3A_546, %dma_wait3A_547] : memref<10112x64xf32, #tpu.memory_space<vmem_shared>> -> memref<10112x64xf32, #tpu.memory_space<vmem_shared>>
      tpu.wait_indirect_dma semaphore(%arg22 : memref<!tpu.dma_semaphore, #tpu.memory_space<semaphore_mem>>) src(%arg13 : memref<128x64xf32, #tpu.memory_space<vmem>>) dst(%dma_wait3A_548 : memref<10112x64xf32, #tpu.memory_space<vmem_shared>>)
      %dma_wait3A_549 = arith.constant 14 : i32
      %dma_wait3A_550 = arith.constant 0 : i32
      %dma_wait3A_551 = tpu.memref_slice %arg11[%dma_wait3A_549, %dma_wait3A_550] : memref<16x128xi32, #tpu.memory_space<vmem>> -> memref<1x128xi32, #tpu.memory_space<vmem>>
      %dma_wait3A_552 = tpu.memref_squeeze %dma_wait3A_551 : memref<1x128xi32, #tpu.memory_space<vmem>> -> memref<128xi32, #tpu.memory_space<vmem>>
      %dma_wait3A_553 = arith.constant 0 : i32
      %dma_wait3A_554 = arith.constant 0 : i32
      %dma_wait3A_555 = tpu.memref_slice %arg9[%dma_wait3A_553, %dma_wait3A_554] : memref<10112x64xf32, #tpu.memory_space<vmem_shared>> -> memref<10112x64xf32, #tpu.memory_space<vmem_shared>>
      tpu.wait_indirect_dma semaphore(%arg23 : memref<!tpu.dma_semaphore, #tpu.memory_space<semaphore_mem>>) src(%arg14 : memref<128x64xf32, #tpu.memory_space<vmem>>) dst(%dma_wait3A_555 : memref<10112x64xf32, #tpu.memory_space<vmem_shared>>)
      %dma_wait3A_556 = arith.constant 15 : i32
      %dma_wait3A_557 = arith.constant 0 : i32
      %dma_wait3A_558 = tpu.memref_slice %arg11[%dma_wait3A_556, %dma_wait3A_557] : memref<16x128xi32, #tpu.memory_space<vmem>> -> memref<1x128xi32, #tpu.memory_space<vmem>>
      %dma_wait3A_559 = tpu.memref_squeeze %dma_wait3A_558 : memref<1x128xi32, #tpu.memory_space<vmem>> -> memref<128xi32, #tpu.memory_space<vmem>>
      %dma_wait3A_560 = arith.constant 0 : i32
      %dma_wait3A_561 = arith.constant 0 : i32
      %dma_wait3A_562 = tpu.memref_slice %arg9[%dma_wait3A_560, %dma_wait3A_561] : memref<10112x64xf32, #tpu.memory_space<vmem_shared>> -> memref<10112x64xf32, #tpu.memory_space<vmem_shared>>
      tpu.wait_indirect_dma semaphore(%arg24 : memref<!tpu.dma_semaphore, #tpu.memory_space<semaphore_mem>>) src(%arg15 : memref<128x64xf32, #tpu.memory_space<vmem>>) dst(%dma_wait3A_562 : memref<10112x64xf32, #tpu.memory_space<vmem_shared>>)
    }
    %scan3A_16 = arith.constant 10 : i32
    %barrier3A_17 = arith.constant 0 : index
    tpu.barrier barrier_id(%barrier3A_17)
    "tpu.region"() ({
      %run_scoped3A = tpu.sem_alloc : memref<!tpu.dma_semaphore, #tpu.memory_space<semaphore_mem>>
      %dma_start3A = arith.constant 0 : i32
      %dma_start3A_18 = arith.constant 0 : i32
      %dma_start3A_19 = tpu.memref_slice %arg6[%arg0, %dma_start3A, %dma_start3A_18] : memref<2x10112x64xf32, #tpu.memory_space<hbm>> -> memref<1x10112x64xf32, #tpu.memory_space<hbm>>
      %dma_start3A_20 = tpu.memref_squeeze %dma_start3A_19 : memref<1x10112x64xf32, #tpu.memory_space<hbm>> -> memref<10112x64xf32, #tpu.memory_space<hbm>>
      %dma_start3A_21 = arith.constant 0 : i32
      %dma_start3A_22 = tpu.memref_slice %dma_start3A_20[%mul3A_2, %dma_start3A_21] : memref<10112x64xf32, #tpu.memory_space<hbm>> -> memref<632x64xf32, #tpu.memory_space<hbm>>
      %dma_start3A_23 = arith.constant 0 : i32
      %dma_start3A_24 = tpu.memref_slice %arg9[%mul3A_2, %dma_start3A_23] : memref<10112x64xf32, #tpu.memory_space<vmem_shared>> -> memref<632x64xf32, #tpu.memory_space<vmem_shared>>
      tpu.enqueue_dma source(%dma_start3A_24 : memref<632x64xf32, #tpu.memory_space<vmem_shared>>) target(%dma_start3A_22 : memref<632x64xf32, #tpu.memory_space<hbm>>) target_semaphore(%run_scoped3A : memref<!tpu.dma_semaphore, #tpu.memory_space<semaphore_mem>>)
      %dma_wait3A = arith.constant 0 : i32
      %dma_wait3A_25 = arith.constant 0 : i32
      %dma_wait3A_26 = tpu.memref_slice %arg6[%arg0, %dma_wait3A, %dma_wait3A_25] : memref<2x10112x64xf32, #tpu.memory_space<hbm>> -> memref<1x10112x64xf32, #tpu.memory_space<hbm>>
      %dma_wait3A_27 = tpu.memref_squeeze %dma_wait3A_26 : memref<1x10112x64xf32, #tpu.memory_space<hbm>> -> memref<10112x64xf32, #tpu.memory_space<hbm>>
      %dma_wait3A_28 = arith.constant 0 : i32
      %dma_wait3A_29 = tpu.memref_slice %dma_wait3A_27[%mul3A_2, %dma_wait3A_28] : memref<10112x64xf32, #tpu.memory_space<hbm>> -> memref<632x64xf32, #tpu.memory_space<hbm>>
      %dma_wait3A_30 = arith.constant 0 : i32
      %dma_wait3A_31 = tpu.memref_slice %arg9[%mul3A_2, %dma_wait3A_30] : memref<10112x64xf32, #tpu.memory_space<vmem_shared>> -> memref<632x64xf32, #tpu.memory_space<vmem_shared>>
      tpu.wait_dma2 semaphore(%run_scoped3A : memref<!tpu.dma_semaphore, #tpu.memory_space<semaphore_mem>>) src(%dma_wait3A_31 : memref<632x64xf32, #tpu.memory_space<vmem_shared>>) dst(%dma_wait3A_29 : memref<632x64xf32, #tpu.memory_space<hbm>>)
      tpu.yield
    }) : () -> ()
    "tpu.region"() ({
      %run_scoped3A = tpu.sem_alloc : memref<!tpu.dma_semaphore, #tpu.memory_space<semaphore_mem>>
      %dma_start3A = arith.constant 0 : i32
      %dma_start3A_18 = tpu.memref_slice %arg7[%add3A, %dma_start3A] : memref<32x10112xf32, #tpu.memory_space<hbm>> -> memref<1x10112xf32, #tpu.memory_space<hbm>>
      %dma_start3A_19 = tpu.memref_squeeze %dma_start3A_18 : memref<1x10112xf32, #tpu.memory_space<hbm>> -> memref<10112xf32, #tpu.memory_space<hbm>>
      %dma_start3A_20 = arith.constant 0 : i32
      %dma_start3A_21 = tpu.memref_slice %arg7[%add3A, %dma_start3A_20] : memref<32x10112xf32, #tpu.memory_space<hbm>> -> memref<1x10112xf32, #tpu.memory_space<hbm>>
      %dma_start3A_22 = tpu.memref_squeeze %dma_start3A_21 : memref<1x10112xf32, #tpu.memory_space<hbm>> -> memref<10112xf32, #tpu.memory_space<hbm>>
      tpu.enqueue_dma source(%arg16 : memref<10112xf32, #tpu.memory_space<vmem>>) target(%dma_start3A_22 : memref<10112xf32, #tpu.memory_space<hbm>>) target_semaphore(%run_scoped3A : memref<!tpu.dma_semaphore, #tpu.memory_space<semaphore_mem>>)
      %dma_wait3A = arith.constant 0 : i32
      %dma_wait3A_23 = tpu.memref_slice %arg7[%add3A, %dma_wait3A] : memref<32x10112xf32, #tpu.memory_space<hbm>> -> memref<1x10112xf32, #tpu.memory_space<hbm>>
      %dma_wait3A_24 = tpu.memref_squeeze %dma_wait3A_23 : memref<1x10112xf32, #tpu.memory_space<hbm>> -> memref<10112xf32, #tpu.memory_space<hbm>>
      %dma_wait3A_25 = arith.constant 0 : i32
      %dma_wait3A_26 = tpu.memref_slice %arg7[%add3A, %dma_wait3A_25] : memref<32x10112xf32, #tpu.memory_space<hbm>> -> memref<1x10112xf32, #tpu.memory_space<hbm>>
      %dma_wait3A_27 = tpu.memref_squeeze %dma_wait3A_26 : memref<1x10112xf32, #tpu.memory_space<hbm>> -> memref<10112xf32, #tpu.memory_space<hbm>>
      tpu.wait_dma2 semaphore(%run_scoped3A : memref<!tpu.dma_semaphore, #tpu.memory_space<semaphore_mem>>) src(%arg16 : memref<10112xf32, #tpu.memory_space<vmem>>) dst(%dma_wait3A_27 : memref<10112xf32, #tpu.memory_space<hbm>>)
      tpu.yield
    }) : () -> ()
    return
  }
}

module attributes {stable_mosaic.version = 14 : i64} {
  func.func @body(%arg0: i32, %arg1: memref<1000x128xf32, #tpu.memory_space<vmem>>, %arg2: memref<128x128xf32, #tpu.memory_space<vmem>>, %arg3: memref<128x128xf32, #tpu.memory_space<vmem>>, %arg4: memref<1000x128xf32, #tpu.memory_space<vmem>>, %arg5: memref<1000x32xf32, #tpu.memory_space<vmem>>, %arg6: memref<1000x128xf32, #tpu.memory_space<vmem>>) attributes {dimension_semantics = [#tpu.dimension_semantics<arbitrary>], iteration_bounds = array<i64: 10>, scalar_prefetch = 0 : i64, scratch_operands = 0 : i64, tpu.core_type = #tpu.core_type<tc>, window_params = [{transform_indices = @transform_0, window_bounds = array<i64: 1000, 128>}, {pipeline_mode = #tpu.pipeline_mode<synchronous>, transform_indices = @transform_1, window_bounds = array<i64: 128, 128>}, {pipeline_mode = #tpu.pipeline_mode<synchronous>, transform_indices = @transform_2, window_bounds = array<i64: 128, 128>}, {transform_indices = @transform_3, window_bounds = array<i64: 1000, 128>}, {transform_indices = @transform_4, window_bounds = array<i64: 1000, 32>}, {transform_indices = @transform_5, window_bounds = array<i64: 1000, 128>}]} {
    %get3A = arith.constant 0 : index
    %get3A_0 = arith.constant 0 : index
    %get3A_1 = vector.load %arg4[%get3A, %get3A_0] : memref<1000x128xf32, #tpu.memory_space<vmem>>, vector<1000x128xf32>
    %get3A_2 = arith.constant 0 : index
    %get3A_3 = arith.constant 0 : index
    %get3A_4 = vector.load %arg5[%get3A_2, %get3A_3] : memref<1000x32xf32, #tpu.memory_space<vmem>>, vector<1000x32xf32>
    %reduce_sum3A = arith.constant dense<0.000000e+00> : vector<1000xf32>
    %reduce_sum3A_5 = vector.multi_reduction <add>, %get3A_4, %reduce_sum3A [1] : vector<1000x32xf32> to vector<1000xf32>
    %broadcast_in_dim3A = vector.shape_cast %reduce_sum3A_5 : vector<1000xf32> to vector<1000x1xf32>
    %mul3A = arith.constant 5.000000e-01 : f32
    %mul3A_6 = vector.broadcast %mul3A : f32 to vector<1000x1xf32>
    %mul3A_7 = arith.mulf %mul3A_6, %broadcast_in_dim3A : vector<1000x1xf32>
    %get3A_8 = arith.constant 0 : index
    %get3A_9 = arith.constant 0 : index
    %get3A_10 = vector.load %arg1[%get3A_8, %get3A_9] : memref<1000x128xf32, #tpu.memory_space<vmem>>, vector<1000x128xf32>
    %max3A = arith.constant 1.000000e+00 : f32
    %max3A_11 = vector.broadcast %max3A : f32 to vector<1000x1xf32>
    %max3A_12 = arith.maximumf %mul3A_7, %max3A_11 : vector<1000x1xf32>
    %div3A = vector.broadcast %max3A_12 : vector<1000x1xf32> to vector<1000x128xf32>
    %div3A_13 = arith.divf %get3A_1, %div3A : vector<1000x128xf32>
    %get3A_14 = arith.constant 0 : index
    %get3A_15 = arith.constant 0 : index
    %get3A_16 = vector.load %arg2[%get3A_14, %get3A_15] : memref<128x128xf32, #tpu.memory_space<vmem>>, vector<128x128xf32>
    %dot_general3A = arith.constant dense<0.000000e+00> : vector<1000x128xf32>
    %dot_general3A_17 = tpu.matmul %get3A_10, %get3A_16, %dot_general3A {dimension_numbers = #tpu.dot_dimension_numbers<[1], [0], [0], [1], [0, 0, 1, 1], [], []>, transpose_lhs_hint = false} : vector<1000x128xf32>, vector<128x128xf32>, vector<1000x128xf32> -> vector<1000x128xf32>
    %get3A_18 = arith.constant 0 : index
    %get3A_19 = arith.constant 0 : index
    %get3A_20 = vector.load %arg3[%get3A_18, %get3A_19] : memref<128x128xf32, #tpu.memory_space<vmem>>, vector<128x128xf32>
    %dot_general3A_21 = arith.constant dense<0.000000e+00> : vector<1000x128xf32>
    %dot_general3A_22 = tpu.matmul %div3A_13, %get3A_20, %dot_general3A_21 {dimension_numbers = #tpu.dot_dimension_numbers<[1], [0], [0], [1], [0, 0, 1, 1], [], []>, transpose_lhs_hint = false} : vector<1000x128xf32>, vector<128x128xf32>, vector<1000x128xf32> -> vector<1000x128xf32>
    %add3A = arith.addf %dot_general3A_17, %dot_general3A_22 : vector<1000x128xf32>
    %swap3A = arith.constant 0 : index
    %swap3A_23 = arith.constant 0 : index
    %swap3A_24 = vector.load %arg6[%swap3A, %swap3A_23] : memref<1000x128xf32, #tpu.memory_space<vmem>>, vector<1000x128xf32>
    tpu.vector_store %arg6[%swap3A, %swap3A_23], %add3A {strides = array<i32>} : memref<1000x128xf32, #tpu.memory_space<vmem>>, vector<1000x128xf32>,
    return
  }
  func.func @transform_0(%arg0: i32) -> (i32, i32) {
    %c0_i32 = arith.constant 0 : i32
    %c0_i32_0 = arith.constant 0 : i32
    return %arg0, %c0_i32 : i32, i32
  }
  func.func @transform_1(%arg0: i32) -> (i32, i32) {
    %c0_i32 = arith.constant 0 : i32
    %c0_i32_0 = arith.constant 0 : i32
    %c0_i32_1 = arith.constant 0 : i32
    return %c0_i32, %c0_i32_0 : i32, i32
  }
  func.func @transform_2(%arg0: i32) -> (i32, i32) {
    %c0_i32 = arith.constant 0 : i32
    %c0_i32_0 = arith.constant 0 : i32
    %c0_i32_1 = arith.constant 0 : i32
    return %c0_i32, %c0_i32_0 : i32, i32
  }
  func.func @transform_3(%arg0: i32) -> (i32, i32) {
    %c0_i32 = arith.constant 0 : i32
    %c0_i32_0 = arith.constant 0 : i32
    return %arg0, %c0_i32 : i32, i32
  }
  func.func @transform_4(%arg0: i32) -> (i32, i32) {
    %c0_i32 = arith.constant 0 : i32
    %c0_i32_0 = arith.constant 0 : i32
    return %arg0, %c0_i32 : i32, i32
  }
  func.func @transform_5(%arg0: i32) -> (i32, i32) {
    %c0_i32 = arith.constant 0 : i32
    %c0_i32_0 = arith.constant 0 : i32
    return %arg0, %c0_i32 : i32, i32
  }
}

</mosaic_0001>

<sc_bundles>
// kernel: kernel.4.cloned.1.call-start
scs
__scs_entry_jumppad:
0x0: {  	(pc) =	sbr.rel $0x88, $3  }
0x1: {  	(tag) =	ssettag $0x0;
	lr =	simm.s32 $0x1  }
0x2: {  	[smem:$0x3F9E] =	sst lr;
	_ =	strace $0xD0000000  }
0x3: {  	_ = 	snop  }
0x4: {  	_ = 	snop  }
0x5: {  	_ = 	snop  }
0x6: {  	_ = 	snop  }
0x7: {  	_ = 	snop  }
__scs_overlays_trampoline_lowered:
0x8: {  	[smem:$0x3FAD] =	sst s0  }
0x9: {  	[smem:$0x3FAE] =	sst s1  }
0xa: {  	[smem:$0x3FAF] =	sst s2  }
0xb: {  	[smem:$0x3FB0] =	sst s3  }
0xc: {  	[smem:$0x3FB1] =	sst s4  }
0xd: {  	[smem:$0x3FB2] =	sst s5  }
0xe: {  	[smem:$0x3FB3] =	sst s6  }
0xf: {  	[smem:$0x3FB4] =	sst s7  }
0x10: {  	[smem:$0x3FB5] =	sst s8  }
0x11: {  	[smem:$0x3FB6] =	sst s9;
	s0 =	simm.s32 @!p0 $0x0  }
0x12: {  	s1 =	sld [smem:$0x3F9C];
	s0 =	simm.s32 @p0 $0x1  }
0x13: {  	[smem:$0x3FB7] =	sst s0;
	s0 =	simm.s32 @!p1 $0x0  }
0x14: {  	s2 =	sld [smem:$0x3F9B];
	s0 =	simm.s32 @p1 $0x1  }
0x15: {  	[smem:$0x3FB8] =	sst s0;
	s0 =	simm.s32 @!p2 $0x0  }
0x16: {  	s3 =	sld [smem:$0x3FDB];
	s0 =	simm.s32 @p2 $0x1  }
0x17: {  	s4 =	simm.s32 $0x1BF5;
	[smem:$0x3FBA] =	sst s0  }
0x18: {  	s0 =	sld [smem:$0x3F9D];
	_ =	swait.ge [sflag:s4], $0x0  }
0x19: {  	s7 =	sld [smem:$0x3F9E]  }
0x1a: {  	s8 =	sadd.s32 $0xFFFFE003, lr  }
0x1b: {  	s9 =	sadd.s32 $0xFFFFFEF7, lr;
	s5 =	simm.s32 $0xFFFFFFFF;
	p2 =	slt.u32 s8, $0xFFFFF086  }
0x1c: {  	p1 =	slt.u32 s9, $0xF7A;
	s5 =	simm.s32 @!p2 $0x0  }
0x1d: {  	s5 =	simm.s32 @p1 $0x1;
	p0 =	seq.s32 s7, s2  }
0x1e: {  	s7 =	smul.u32 @!p0 $0xF7A, s2;
	p2 =	seq.s32 @!p0 s5, $0x0  }
0x1f: {  	s9 =	smul.u32 $0xF7A, s1;
	s8 =	simm.s32 @!p0 $0x1BF5;
	p2 =	por !p2, p0  }
0x20: {  	[sflag:s8] =	ssyncset.s32 @!p0 $0xFFFFF086;
	s6 =	sadd.s32 @!p0 s3, s7;
	s7 =	simm.s32 @!p0 $0x108  }
0x21: {  	s3 =	sadd.s32 s3, s9;
	s6 =	sadd.s32 @!p0 $0x88, s6;
	s7 =	simm.s32 @p2 $0x1082  }
0x22: {  	[simem:s7], [sflag:s8] =	dma.local @!p0 [hbm:s6], $0xF7A  }
0x23: {  	s9 =	sor.u32 $0xD0000000, s2;
	s6 =	simm.s32 $0x108;
	_ =	swait.ge @!p0 [sflag:s8], $0x0  }
0x24: {  	s3 =	sadd.s32 $0x88, s3;
	s6 =	simm.s32 @!p1 $0x1082;
	[sflag:s4] =	ssyncset.s32 $0xFFFFF086  }
0x25: {  	[simem:s6], [sflag:s4] =	dma.local [hbm:s3], $0xF7A  }
0x26: {  	[smem:$0x3F9E] =	sst s1;
	(tag) =	ssettag s2;
	_ =	strace s9  }
0x27: {  	s1 =	sld [smem:$0x3FAE]  }
0x28: {  	s2 =	sld [smem:$0x3FAF]  }
0x29: {  	s4 =	sld [smem:$0x3FB1]  }
0x2a: {  	p0 =	seq.s32 s5, $0x0;
	s5 =	sld [smem:$0x3FB2]  }
0x2b: {  	s6 =	sld [smem:$0x3FB3]  }
0x2c: {  	s7 =	sld [smem:$0x3FB4]  }
0x2d: {  	s3 =	simm.s32 $0x108;
	s8 =	sld [smem:$0x3FB5]  }
0x2e: {  	s3 =	simm.s32 @!p0 $0x1082;
	s9 =	sld [smem:$0x3FB6]  }
0x2f: {  	lr =	sadd.s32 s0, s3;
	s0 =	sld [smem:$0x3FAD]  }
0x30: {  	s3 =	sld [smem:$0x3FB0]  }
0x31: {  	[smem:$0x3FB9] =	sst s10  }
0x32: {  	s10 =	sld [smem:$0x3FB7];
	_ =	sdelay $0x3  }
0x33: {  	p0 =	seq.s32 s10, $0x1;
	s10 =	sld [smem:$0x3FB9];
	_ =	sdelay $0x3  }
0x34: {  	[smem:$0x3FB9] =	sst s10  }
0x35: {  	s10 =	sld [smem:$0x3FB8];
	_ =	sdelay $0x3  }
0x36: {  	p1 =	seq.s32 s10, $0x1;
	s10 =	sld [smem:$0x3FB9];
	_ =	sdelay $0x3  }
0x37: {  	[smem:$0x3FB9] =	sst s10  }
0x38: {  	s10 =	sld [smem:$0x3FBA]  }
0x39: {  	_ = 	snop;
	(pc) =	sbr.ind lr, $3  }
0x3a: {  	_ = 	snop  }
0x3b: {  	_ = 	snop  }
0x3c: {  	p2 =	seq.s32 s10, $0x1;
	s10 =	sld [smem:$0x3FB9]  }
0x3d: {  	_ =	shalt  }
0x3e: {  	_ =	shalt  }
0x3f: {  	_ =	shalt  }
0x40: {  	_ =	shalt  }
0x41: {  	_ =	shalt  }
0x42: {  	_ =	shalt  }
0x43: {  	_ =	shalt  }
0x44: {  	_ =	shalt  }
0x45: {  	_ =	shalt  }
0x46: {  	_ =	shalt  }
0x47: {  	_ =	shalt  }
0x48: {  	_ =	shalt  }
0x49: {  	_ =	shalt  }
0x4a: {  	_ =	shalt  }
0x4b: {  	_ =	shalt  }
0x4c: {  	_ =	shalt  }
0x4d: {  	_ =	shalt  }
0x4e: {  	_ =	shalt  }
0x4f: {  	_ =	shalt  }
0x50: {  	_ =	shalt  }
0x51: {  	_ =	shalt  }
0x52: {  	_ =	shalt  }
0x53: {  	_ =	shalt  }
0x54: {  	_ =	shalt  }
0x55: {  	_ =	shalt  }
0x56: {  	_ =	shalt  }
0x57: {  	_ =	shalt  }
0x58: {  	_ =	shalt  }
0x59: {  	_ =	shalt  }
0x5a: {  	_ =	shalt  }
0x5b: {  	_ =	shalt  }
0x5c: {  	_ =	shalt  }
0x5d: {  	_ =	shalt  }
0x5e: {  	_ =	shalt  }
0x5f: {  	_ =	shalt  }
0x60: {  	_ =	shalt  }
0x61: {  	_ =	shalt  }
0x62: {  	_ =	shalt  }
0x63: {  	_ =	shalt  }
0x64: {  	_ =	shalt  }
0x65: {  	_ =	shalt  }
0x66: {  	_ =	shalt  }
0x67: {  	_ =	shalt  }
0x68: {  	_ =	shalt  }
0x69: {  	_ =	shalt  }
0x6a: {  	_ =	shalt  }
0x6b: {  	_ =	shalt  }
0x6c: {  	_ =	shalt  }
0x6d: {  	_ =	shalt  }
0x6e: {  	_ =	shalt  }
0x6f: {  	_ =	shalt  }
0x70: {  	_ =	shalt  }
0x71: {  	_ =	shalt  }
0x72: {  	_ =	shalt  }
0x73: {  	_ =	shalt  }
0x74: {  	_ =	shalt  }
0x75: {  	_ =	shalt  }
0x76: {  	_ =	shalt  }
0x77: {  	_ =	shalt  }
0x78: {  	_ =	shalt  }
0x79: {  	_ =	shalt  }
0x7a: {  	_ =	shalt  }
0x7b: {  	_ =	shalt  }
0x7c: {  	_ =	shalt  }
0x7d: {  	_ =	shalt  }
0x7e: {  	_ =	shalt  }
0x7f: {  	_ =	shalt  }
0x80: {  	_ =	shalt  }
0x81: {  	_ =	shalt  }
0x82: {  	_ =	shalt  }
0x83: {  	_ =	shalt  }
0x84: {  	_ =	shalt  }
0x85: {  	_ =	shalt  }
0x86: {  	_ =	shalt  }
0x87: {  	_ =	shalt  }
.Lfunc_end0:
.L_simem_size_0:
called_computation_lowered:
.L_overlay_start_0:
0x88: {  	s2 =	sld [smem:$0x3FD9]  }
0x89: {  	s3 =	sld [smem:$0x3FFE];
	_ =	sdelay $0x1  }
0x8a: {  	s1 =	srdreg.scid  }
0x8b: {  	s0 =	sand.u32 $0x1, s1  }
0x8c: {  	s17 =	sshll.u32 s0, $0xA;
	s2 =	sadd.s32 s3, s2  }
0x8d: {  	s2 =	sadd.s32 s2, s17  }
0x8e: {  	[smem:$0x3FC5] =	sst s2  }
0x8f: {  	_ = 	snop  }
0x90: {  	s2 =	sld [smem:$0x3FD0];
	(tm) =	ssettm $0x1  }
0x91: {  	s18 =	sld [smem:$0x3FFB];
	_ =	sdelay $0x3  }
0x92: {  	_ =	strace s18  }
0x93: {  	s3 =	sld [smem:$0x3FFC];
	_ =	sdelay $0x3  }
0x94: {  	_ =	strace s3  }
0x95: {  	s3 =	sld [smem:$0x3FFD];
	_ =	sdelay $0x3  }
0x96: {  	_ =	strace s3  }
0x97: {  	_ =	strace $0x8FFFFFFF  }
0x98: {  	s19 =	sld [smem:$0x3FDB];
	_ =	sdelay $0x1  }
0x99: {  	s4 =	simm.s32 $_scs_section_size  }
0x9a: {  	s5 =	simm.s32 $_size__tile_overlayer_lowered;
	s6 =	simm.s32 $_tile_overlayer_lowered  }
0x9b: {  	s22 =	simm.s32 $0x1BFF;
	s21 =	sshll.u32 s6, $0x1;
	s3 =	sadd.s32 s4, s19  }
0x9c: {  	s7 =	simm.s32 $0x0;
	s20 =	sshll.u32 s5, $0x1;
	s5 =	sadd.s32 s21, s3  }
0x9d: {  	[timem:s7], [sflag:s22] =	dma.local [hbm:s5], s20  }
0x9e: {  	_ =	swait.ge [sflag:s22], s20  }
0x9f: {  	s4 =	ssub.s32 $0x0, s20;
	[sflag:s22] =	ssyncset.done $0x0  }
0xa0: {  	[sflag:s22] =	ssyncadd.s32 s4;
	_ =	sdelay $0x1  }
0xa1: {  	s23 =	simm.s32 $0x1B8B  }
0xa2: {  	_ =	swait.ge [sflag:s23], $0x1  }
0xa3: {  	[sflag:s23] =	ssyncset.done $0x0  }
0xa4: {  	s25 =	simm.s32 $0x1B8E;
	s24 =	sld [smem:$0x3FFE];
	[sflag:s23] =	ssyncadd.s32 $0xFFFFFFFF  }
0xa5: {  	s26 =	simm.s32 $execute0_lowered;
	[smem:$0x3FD2] =	sst s25  }
0xa6: {  	s5 =	sshll.u32 s26, $0x1;
	_ =	strace $0x80000046;
	[dreg:$0x1] =	wrdreg $0xFFFFFFFF  }
0xa7: {  	s28 =	simm.s32 $_size_execute0_lowered;
	s3 =	sadd.s32 s3, s5;
	[dreg:$0x0] =	wrdreg $0x0  }
0xa8: {  	s5 =	sshll.u32 s28, $0x1;
	[dreg:$0x2] =	wrdreg s3  }
0xa9: {  	[dreg:$0x3] =	wrdreg s5  }
0xaa: {  	[dreg:$0x4] =	wrdreg $0xC0  }
0xab: {  	_ =	task [dreg:s7], $0x5FFFF  }
0xac: {  	[dreg:$0x1] =	wrdreg $0xFFFFFFFF  }
0xad: {  	[dreg:$0x0] =	wrdreg $0x60  }
0xae: {  	[dreg:$0x2] =	wrdreg s24  }
0xaf: {  	[dreg:$0x3] =	wrdreg s2  }
0xb0: {  	[dreg:$0x4] =	wrdreg $0x0  }
0xb1: {  	[dreg:$0x5] =	wrdreg $0x9E000  }
0xb2: {  	[dreg:$0x6] =	wrdreg $0x9  }
0xb3: {  	_ =	task.clear_ibuf [dreg:s7], $0x7FFFF;
	_ =	strace $0x90000046  }
0xb4: {  	s29 =	simm.s32 $0x9;
	_ =	strace $0x80000048  }
0xb5: {  	_ =	swait.ge [sflag:s29], $0x1  }
0xb6: {  	[sflag:s29] =	ssyncadd.s32 $0xFFFFFFFF  }
0xb7: {  	_ =	strace $0x90000048  }
0xb8: {  	_ =	sfence  }
0xb9: {  	s30 =	sld [smem:$0x0];
	_ =	sdelay $0x2  }
0xba: {  	s31 =	sshll.u32 s1, $0xD;
	s1 =	sshrl.u32 s1, $0x2  }
0xbb: {  	s3 =	sand.u32 $0x4000, s31;
	s1 =	sadd.s32 s1, s30  }
0xbc: {  	s0 =	sor.u32 s3, s0;
	s1 =	sshll.u32 s1, $0x11  }
0xbd: {  	s0 =	sor.u32 s1, s0  }
0xbe: {  	s0 =	sadd.s32 $0x8F2B, s0  }
0xbf: {  	[sflag:s0] =	ssyncadd.remote.s32 $0x1  }
0xc0: {  	_ =	sfence.sel $0xFFFF  }
0xc1: {  	[dreg:$0x0] =	wrdreg $0xFFFFFFFF;
	(pc) =	sbr.abs _section_cstart, $3  }
0xc2: {  	[dreg:$0x1] =	wrdreg $0xFFFFFFFF  }
0xc3: {  	_ =	task.clear_ibuf [dreg:s7], $0x2FFFF;
	_ =	strace $0x9FFFFFFF  }
0xc4: {  	(tm) =	ssettm $0x7FFFFFFF  }
0xc5: {  	_ =	shalt  }
tec
execute0_lowered:
.L_overlay_start_1:
0x0: {  	(tag) =	ssettag $0x1  }
0x1: {  	s0 =	rddreg [dreg:$0x0]  }
0x2: {  	s1 =	rddreg [dreg:$0x1]  }
0x3: {  	s2 =	rddreg [dreg:$0x2]  }
0x4: {  	s3 =	rddreg [dreg:$0x3]  }
0x5: {  	s4 =	srdreg.scid;
	s12 =	stileid.u32;
	s18 =	simm.s32 $0x13C80  }
0x6: {  	s20 =	simm.s32 $0x13D00;
	s5 =	sand.u32 $0x1, s4;
	s4 =	simm.s32 $0x0  }
0x7: {  	s21 =	simm.s32 $0x13D80;
	s22 =	simm.s32 $0x13E00;
	[smem:$0x7FF] =	sst s4  }
0x8: {  	s23 =	simm.s32 $0x14480;
	_ =	strace $0x80000047;
	[dreg:$0x7] =	wrdreg s18  }
0x9: {  	s25 =	simm.s32 $0x13E80;
	s26 =	simm.s32 $0x14500;
	[dreg:$0x8] =	wrdreg s20  }
0xa: {  	s31 =	simm.s32 $0x13F00;
	s13 =	simm.s32 $0x14600;
	[dreg:$0x9] =	wrdreg s21  }
0xb: {  	s14 =	simm.s32 $0x14000;
	s16 =	simm.s32 $0x14680;
	[dreg:$0xa] =	wrdreg s22  }
0xc: {  	s28 =	simm.s32 $0x7;
	s29 =	simm.s32 $0x4;
	[dreg:$0xb] =	wrdreg s23  }
0xd: {  	s30 =	simm.s32 $0x8;
	s6 =	smul.u32 $0xA00, s12;
	[dreg:$0xc] =	wrdreg s25  }
0xe: {  	s10 =	smul.u32 $0x9E00, s12;
	s24 =	sshll.u32 s12, $0x6;
	[dreg:$0xd] =	wrdreg s26  }
0xf: {  	s7 =	sshll.u32 s5, $0x4;
	s8 =	smul.u32 $0x13C00, s5;
	[dreg:$0xe] =	wrdreg s31  }
0x10: {  	s5 =	ssub.s32 $0x2, s5;
	s24 =	sor.u32 $0x1C09, s24;
	[dreg:$0x11] =	wrdreg s13  }
0x11: {  	s7 =	sor.u32 s12, s7;
	s6 =	sadd.s32 s6, s0;
	[dreg:$0x12] =	wrdreg s14  }
0x12: {  	s17 =	sshrl.u32 s5, $0x1;
	s19 =	sadd.s32 s10, s2;
	[dreg:$0x13] =	wrdreg s16  }
0x13: {  	s18 =	simm.s32 $0x14700;
	s13 =	simm.s32 $0x13C00;
	[dreg:$0x1f] =	wrdreg s24  }
0x14: {  	s14 =	simm.s32 $0x14400;
	s20 =	simm.s32 $0x14780;
	[dreg:$0x15] =	wrdreg s18  }
0x15: {  	s21 =	simm.s32 $0x14180;
	s16 =	simm.s32 $0x14C00;
	[dreg:$0x17] =	wrdreg s20  }
0x16: {  	s22 =	simm.s32 $0x14800;
	s23 =	simm.s32 $0x14200;
	[dreg:$0x18] =	wrdreg s21  }
0x17: {  	s25 =	simm.s32 $0x14880;
	s26 =	simm.s32 $0x14280;
	[dreg:$0x19] =	wrdreg s22  }
0x18: {  	s31 =	simm.s32 $0x14900;
	s7 =	smul.u32 $0x4F0, s7;
	[dreg:$0x1a] =	wrdreg s23  }
0x19: {  	s8 =	sadd.s32 s8, s0;
	s9 =	sadd.s32 $0x32400, s6;
	[dreg:$0x1b] =	wrdreg s25  }
0x1a: {  	s6 =	sadd.s32 $0x28400, s6;
	s5 =	ssub.s32 s5, s17;
	[dreg:$0x1c] =	wrdreg s26  }
0x1b: {  	s15 =	sshrl.u32 s19, $0x3;
	s17 =	simm.s32 $0x14080;
	[dreg:$0x1d] =	wrdreg s31  }
0x1c: {  	s19 =	simm.s32 $0x14100;
	s18 =	simm.s32 $0x18C00;
	[dreg:$0x5] =	wrdreg s9  }
0x1d: {  	s20 =	simm.s32 $0x1;
	s21 =	simm.s32 $0x1CC00;
	[dreg:$0x6] =	wrdreg s6  }
0x1e: {  	s22 =	simm.s32 $0x5;
	s23 =	simm.s32 $0x2;
	[smem:$0x7FB] =	sst s15  }
0x1f: {  	s25 =	simm.s32 $0x6;
	s26 =	simm.s32 $0x3;
	[dreg:$0x14] =	wrdreg s17  }
0x20: {  	s6 =	simm.s32 $0x14580;
	s5 =	smax.u32 s5, $0x1;
	[dreg:$0x16] =	wrdreg s19  }
0x21: {  	s15 =	simm.s32 $0x80;
	s17 =	simm.s32 $0x16C00;
	s19 =	simm.s32 $0x1AC00  }
0x22: {  	s9 =	simm.s32 $0x14B80;
	s7 =	sadd.s32 s7, s0;
	[dreg:$0xf] =	wrdreg s6  }
0x23: {  	s0 =	sshrl.u32 s10, $0x3;
	s10 =	sadd.s32 s10, s3;
	[smem:$0x7FA] =	sst s5  }
0x24: {  	s5 =	simm.s32 $0x14A00;
	s11 =	sadd.s32 s0, s8;
	s1 =	sadd.s32 s1, s0  }
0x25: {  	s8 =	sadd.s32 $0x3C400, s8;
	s12 =	sadd.s32 $0x63C00, s7;
	[smem:$0x7F8] =	sst s1  }
0x26: {  	s7 =	simm.s32 $0x14A80;
	s11 =	sadd.s32 $0xC00, s11;
	[smem:$0x7F9] =	sst s12  }
0x27: {  	s12 =	sshrl.u32 s10, $0x3;
	s0 =	sadd.s32 s0, s8;
	[dreg:$0x1e] =	wrdreg s11  }
0x28: {  	s1 =	simm.s32 $0x14380;
	s8 =	simm.s32 $0x14B00;
	[smem:$0x7FC] =	sst s0  }
0x29: {  	s10 =	simm.s32 $0x0;
	s11 =	simm.s32 $0x13F80;
	[smem:$0x7FD] =	sst s12  }
0x2a: {  	v0 =	vimm.f32 $0.0e+00;
	v1 =	vimm.f32 $1.000000000e+00;
	s0 =	simm.s32 $0x14980;
	[dreg:$0x10] =	wrdreg s11;
	s11 =	simm.s32 $0x9  }
.LBB2_1:
0x2b: {  	s31 =	smov.u32 s10;
	s10 =	smov.u32 s12;
	s12 =	sld [smem:$0x7FB]  }
0x2c: {  	_ = 	snop  }
0x2d: {  	s6 =	rddreg [dreg:$0x1e]  }
0x2e: {  	[spmem:s12], [sflag:s24] =	dma.local [hbm:s6], $0x13C0  }
0x2f: {  	_ =	swait.ge [sflag:s11], $0x13C0  }
0x30: {  	s12 =	sld [smem:$0x7F8]  }
0x31: {  	[sflag:s11] =	ssyncset.done $0x0  }
0x32: {  	[sflag:s11] =	ssyncadd.s32 $0xFFFFEC40  }
0x33: {  	[spmem:s10], [sflag:s24] =	dma.local [hbm:s12], $0x13C0  }
0x34: {  	_ =	swait.ge [sflag:s11], $0x13C0  }
0x35: {  	[sflag:s11] =	ssyncset.done $0x0  }
0x36: {  	s24 =	simm.s32 $0x40;
	s12 =	simm.s32 $0x0;
	[sflag:s11] =	ssyncadd.s32 $0xFFFFEC40  }
.LBB2_2:
0x37: {  	p0 =	sne.s32 s24, $0x9DC0;
	[tilespmem:s12+$0x1CC00] =	vst v0;
	s12 =	smov.u32 s24;
	s24 =	sadd.s32 $0x40, s24  }
.Ltmp0:
0x38: {  	(pc) =	sbr.rel @p0 .LBB2_2-.Ltmp0, $2  }
0x39: {  	_ =	sdelay $0x2  }
0x3a: {  	s12 =	sshra.s32 s12, $0x2  }
0x3b: {  	[tilespmem:s12+$0x1CC00] =	vst v0;
	s24 =	simm.s32 $0x0  }
0x3c: {  	s10 =	smov.u32 s31;
	s31 =	simm.s32 $0x14300;
	[bflag:$0x0] =	sbarrier.arrive $0xFFFF  }
.LBB2_4:
0x3d: {  	s12 =	rddreg [dreg:$0x5]  }
0x3e: {  	s12 =	sadd.s32 s24, s12  }
0x3f: {  	[tilespmem:s13], [sflag:$0x9] =	stream.linear.gather [hbm4b:s12+s4], $0x800, $0x38;
	[tilespmem:$0x1F380] =	vst v63  }
0x40: {  	_ =	swait.ge [sflag:s11], $0x800  }
0x41: {  	s6 =	rddreg [dreg:$0x6];
	[sflag:s11] =	ssyncset.done $0x0  }
0x42: {  	[sflag:s11] =	ssyncadd.s32 $0xFFFFF800;
	s12 =	sadd.s32 s24, s6  }
0x43: {  	[tilespmem:s14], [sflag:$0x9] =	stream.linear.gather [hbm4b:s12+s4], $0x800, $0x38;
	[tilespmem:$0x1F380] =	vst v63  }
0x44: {  	_ =	swait.ge [sflag:s11], $0x800  }
0x45: {  	[sflag:s11] =	ssyncset.done $0x0  }
0x46: {  	[sflag:s11] =	ssyncadd.s32 $0xFFFFF800  }
0x47: {  	[tilespmem:s16], [sflag:$0x1] =	stream.indirect.gather [spmem:s2], $0x40, s13, s15, $0xb8;
	[tilespmem:$0x1F380] =	vst v63  }
0x48: {  	s12 =	rddreg [dreg:$0x7]  }
0x49: {  	[tilespmem:s17], [sflag:$0x2] =	stream.indirect.gather [spmem:s2], $0x40, s12, s15, $0xb8;
	[tilespmem:$0x1F380] =	vst v63  }
0x4a: {  	s6 =	rddreg [dreg:$0x8]  }
0x4b: {  	[tilespmem:s18], [sflag:$0x3] =	stream.indirect.gather [spmem:s2], $0x40, s6, s15, $0xb8;
	[tilespmem:$0x1F380] =	vst v63  }
0x4c: {  	s12 =	rddreg [dreg:$0x9]  }
0x4d: {  	[tilespmem:s19], [sflag:$0x4] =	stream.indirect.gather [spmem:s2], $0x40, s12, s15, $0xb8;
	[tilespmem:$0x1F380] =	vst v63  }
0x4e: {  	_ =	swait.ge [sflag:s20], $0x2000  }
0x4f: {  	[sflag:s20] =	ssyncset.done $0x0  }
0x50: {  	[sflag:s20] =	ssyncadd.s32 $0xFFFFE000  }
0x51: {  	[spmem:s3] =	stream.indirect.scatter.add.f32 [tilespmem:s16], [sflag:$0x5], $0x40, s14, s15, $0xb8;
	[tilespmem:$0x1F380] =	vst v63  }
0x52: {  	v2 =	vld [tilespmem:$0x14400];
	_ =	sdelay $0x7  }
0x53: {  	[tilespmem:v2+s21+$0x0] =	vst.idx.add.f32.msk $0xffff, v1  }
0x54: {  	v2 =	vld [tilespmem:$0x14410];
	_ =	sdelay $0x7  }
0x55: {  	[tilespmem:v2+s21+$0x0] =	vst.idx.add.f32.msk $0xffff, v1  }
0x56: {  	v2 =	vld [tilespmem:$0x14420];
	_ =	sdelay $0x7  }
0x57: {  	[tilespmem:v2+s21+$0x0] =	vst.idx.add.f32.msk $0xffff, v1  }
0x58: {  	v2 =	vld [tilespmem:$0x14430];
	_ =	sdelay $0x7  }
0x59: {  	[tilespmem:v2+s21+$0x0] =	vst.idx.add.f32.msk $0xffff, v1  }
0x5a: {  	v2 =	vld [tilespmem:$0x14440];
	_ =	sdelay $0x7  }
0x5b: {  	[tilespmem:v2+s21+$0x0] =	vst.idx.add.f32.msk $0xffff, v1  }
0x5c: {  	v2 =	vld [tilespmem:$0x14450];
	_ =	sdelay $0x7  }
0x5d: {  	[tilespmem:v2+s21+$0x0] =	vst.idx.add.f32.msk $0xffff, v1  }
0x5e: {  	v2 =	vld [tilespmem:$0x14460];
	_ =	sdelay $0x7  }
0x5f: {  	[tilespmem:v2+s21+$0x0] =	vst.idx.add.f32.msk $0xffff, v1  }
0x60: {  	v2 =	vld [tilespmem:$0x14470];
	_ =	sdelay $0x7  }
0x61: {  	[tilespmem:v2+s21+$0x0] =	vst.idx.add.f32.msk $0xffff, v1  }
0x62: {  	_ =	swait.ge [sflag:s22], $0x2000  }
0x63: {  	[sflag:s22] =	ssyncset.done $0x0  }
0x64: {  	s12 =	rddreg [dreg:$0xa];
	[sflag:s22] =	ssyncadd.s32 $0xFFFFE000  }
0x65: {  	[tilespmem:s16], [sflag:$0x1] =	stream.indirect.gather [spmem:s2], $0x40, s12, s15, $0xb8;
	[tilespmem:$0x1F380] =	vst v63  }
0x66: {  	_ =	swait.ge [sflag:s23], $0x2000  }
0x67: {  	[sflag:s23] =	ssyncset.done $0x0  }
0x68: {  	s12 =	rddreg [dreg:$0xb];
	[sflag:s23] =	ssyncadd.s32 $0xFFFFE000  }
0x69: {  	[spmem:s3] =	stream.indirect.scatter.add.f32 [tilespmem:s17], [sflag:$0x6], $0x40, s12, s15, $0xb8;
	[tilespmem:$0x1F380] =	vst v63  }
0x6a: {  	v2 =	vld [tilespmem:$0x14480];
	_ =	sdelay $0x7  }
0x6b: {  	[tilespmem:v2+s21+$0x0] =	vst.idx.add.f32.msk $0xffff, v1  }
0x6c: {  	v2 =	vld [tilespmem:$0x14490];
	_ =	sdelay $0x7  }
0x6d: {  	[tilespmem:v2+s21+$0x0] =	vst.idx.add.f32.msk $0xffff, v1  }
0x6e: {  	v2 =	vld [tilespmem:$0x144A0];
	_ =	sdelay $0x7  }
0x6f: {  	[tilespmem:v2+s21+$0x0] =	vst.idx.add.f32.msk $0xffff, v1  }
0x70: {  	v2 =	vld [tilespmem:$0x144B0];
	_ =	sdelay $0x7  }
0x71: {  	[tilespmem:v2+s21+$0x0] =	vst.idx.add.f32.msk $0xffff, v1  }
0x72: {  	v2 =	vld [tilespmem:$0x144C0];
	_ =	sdelay $0x7  }
0x73: {  	[tilespmem:v2+s21+$0x0] =	vst.idx.add.f32.msk $0xffff, v1  }
0x74: {  	v2 =	vld [tilespmem:$0x144D0];
	_ =	sdelay $0x7  }
0x75: {  	[tilespmem:v2+s21+$0x0] =	vst.idx.add.f32.msk $0xffff, v1  }
0x76: {  	v2 =	vld [tilespmem:$0x144E0];
	_ =	sdelay $0x7  }
0x77: {  	[tilespmem:v2+s21+$0x0] =	vst.idx.add.f32.msk $0xffff, v1  }
0x78: {  	v2 =	vld [tilespmem:$0x144F0];
	_ =	sdelay $0x7  }
0x79: {  	[tilespmem:v2+s21+$0x0] =	vst.idx.add.f32.msk $0xffff, v1  }
0x7a: {  	_ =	swait.ge [sflag:s25], $0x2000  }
0x7b: {  	[sflag:s25] =	ssyncset.done $0x0  }
0x7c: {  	s12 =	rddreg [dreg:$0xc];
	[sflag:s25] =	ssyncadd.s32 $0xFFFFE000  }
0x7d: {  	[tilespmem:s17], [sflag:$0x2] =	stream.indirect.gather [spmem:s2], $0x40, s12, s15, $0xb8;
	[tilespmem:$0x1F380] =	vst v63  }
0x7e: {  	_ =	swait.ge [sflag:s26], $0x2000  }
0x7f: {  	[sflag:s26] =	ssyncset.done $0x0  }
0x80: {  	s12 =	rddreg [dreg:$0xd];
	[sflag:s26] =	ssyncadd.s32 $0xFFFFE000  }
0x81: {  	[spmem:s3] =	stream.indirect.scatter.add.f32 [tilespmem:s18], [sflag:$0x7], $0x40, s12, s15, $0xb8;
	[tilespmem:$0x1F380] =	vst v63  }
0x82: {  	v2 =	vld [tilespmem:$0x14500];
	_ =	sdelay $0x7  }
0x83: {  	[tilespmem:v2+s21+$0x0] =	vst.idx.add.f32.msk $0xffff, v1  }
0x84: {  	v2 =	vld [tilespmem:$0x14510];
	_ =	sdelay $0x7  }
0x85: {  	[tilespmem:v2+s21+$0x0] =	vst.idx.add.f32.msk $0xffff, v1  }
0x86: {  	v2 =	vld [tilespmem:$0x14520];
	_ =	sdelay $0x7  }
0x87: {  	[tilespmem:v2+s21+$0x0] =	vst.idx.add.f32.msk $0xffff, v1  }
0x88: {  	v2 =	vld [tilespmem:$0x14530];
	_ =	sdelay $0x7  }
0x89: {  	[tilespmem:v2+s21+$0x0] =	vst.idx.add.f32.msk $0xffff, v1  }
0x8a: {  	v2 =	vld [tilespmem:$0x14540];
	_ =	sdelay $0x7  }
0x8b: {  	[tilespmem:v2+s21+$0x0] =	vst.idx.add.f32.msk $0xffff, v1  }
0x8c: {  	v2 =	vld [tilespmem:$0x14550];
	_ =	sdelay $0x7  }
0x8d: {  	[tilespmem:v2+s21+$0x0] =	vst.idx.add.f32.msk $0xffff, v1  }
0x8e: {  	v2 =	vld [tilespmem:$0x14560];
	_ =	sdelay $0x7  }
0x8f: {  	[tilespmem:v2+s21+$0x0] =	vst.idx.add.f32.msk $0xffff, v1  }
0x90: {  	v2 =	vld [tilespmem:$0x14570];
	_ =	sdelay $0x7  }
0x91: {  	[tilespmem:v2+s21+$0x0] =	vst.idx.add.f32.msk $0xffff, v1  }
0x92: {  	_ =	swait.ge [sflag:s28], $0x2000  }
0x93: {  	[sflag:s28] =	ssyncset.done $0x0  }
0x94: {  	s12 =	rddreg [dreg:$0xe];
	[sflag:s28] =	ssyncadd.s32 $0xFFFFE000  }
0x95: {  	[tilespmem:s18], [sflag:$0x3] =	stream.indirect.gather [spmem:s2], $0x40, s12, s15, $0xb8;
	[tilespmem:$0x1F380] =	vst v63  }
0x96: {  	_ =	swait.ge [sflag:s29], $0x2000  }
0x97: {  	[sflag:s29] =	ssyncset.done $0x0  }
0x98: {  	s12 =	rddreg [dreg:$0xf];
	[sflag:s29] =	ssyncadd.s32 $0xFFFFE000  }
0x99: {  	[spmem:s3] =	stream.indirect.scatter.add.f32 [tilespmem:s19], [sflag:$0x8], $0x40, s12, s15, $0xb8;
	[tilespmem:$0x1F380] =	vst v63  }
0x9a: {  	v2 =	vld [tilespmem:$0x14580];
	_ =	sdelay $0x7  }
0x9b: {  	[tilespmem:v2+s21+$0x0] =	vst.idx.add.f32.msk $0xffff, v1  }
0x9c: {  	v2 =	vld [tilespmem:$0x14590];
	_ =	sdelay $0x7  }
0x9d: {  	[tilespmem:v2+s21+$0x0] =	vst.idx.add.f32.msk $0xffff, v1  }
0x9e: {  	v2 =	vld [tilespmem:$0x145A0];
	_ =	sdelay $0x7  }
0x9f: {  	[tilespmem:v2+s21+$0x0] =	vst.idx.add.f32.msk $0xffff, v1  }
0xa0: {  	v2 =	vld [tilespmem:$0x145B0];
	_ =	sdelay $0x7  }
0xa1: {  	[tilespmem:v2+s21+$0x0] =	vst.idx.add.f32.msk $0xffff, v1  }
0xa2: {  	v2 =	vld [tilespmem:$0x145C0];
	_ =	sdelay $0x7  }
0xa3: {  	[tilespmem:v2+s21+$0x0] =	vst.idx.add.f32.msk $0xffff, v1  }
0xa4: {  	v2 =	vld [tilespmem:$0x145D0];
	_ =	sdelay $0x7  }
0xa5: {  	[tilespmem:v2+s21+$0x0] =	vst.idx.add.f32.msk $0xffff, v1  }
0xa6: {  	v2 =	vld [tilespmem:$0x145E0];
	_ =	sdelay $0x7  }
0xa7: {  	[tilespmem:v2+s21+$0x0] =	vst.idx.add.f32.msk $0xffff, v1  }
0xa8: {  	v2 =	vld [tilespmem:$0x145F0];
	_ =	sdelay $0x7  }
0xa9: {  	[tilespmem:v2+s21+$0x0] =	vst.idx.add.f32.msk $0xffff, v1  }
0xaa: {  	_ =	swait.ge [sflag:s30], $0x2000  }
0xab: {  	[sflag:s30] =	ssyncset.done $0x0  }
0xac: {  	s12 =	rddreg [dreg:$0x10];
	[sflag:s30] =	ssyncadd.s32 $0xFFFFE000  }
0xad: {  	[tilespmem:s19], [sflag:$0x4] =	stream.indirect.gather [spmem:s2], $0x40, s12, s15, $0xb8;
	[tilespmem:$0x1F380] =	vst v63  }
0xae: {  	_ =	swait.ge [sflag:s20], $0x2000  }
0xaf: {  	[sflag:s20] =	ssyncset.done $0x0  }
0xb0: {  	s12 =	rddreg [dreg:$0x11];
	[sflag:s20] =	ssyncadd.s32 $0xFFFFE000  }
0xb1: {  	[spmem:s3] =	stream.indirect.scatter.add.f32 [tilespmem:s16], [sflag:$0x5], $0x40, s12, s15, $0xb8;
	[tilespmem:$0x1F380] =	vst v63  }
0xb2: {  	v2 =	vld [tilespmem:$0x14600];
	_ =	sdelay $0x7  }
0xb3: {  	[tilespmem:v2+s21+$0x0] =	vst.idx.add.f32.msk $0xffff, v1  }
0xb4: {  	v2 =	vld [tilespmem:$0x14610];
	_ =	sdelay $0x7  }
0xb5: {  	[tilespmem:v2+s21+$0x0] =	vst.idx.add.f32.msk $0xffff, v1  }
0xb6: {  	v2 =	vld [tilespmem:$0x14620];
	_ =	sdelay $0x7  }
0xb7: {  	[tilespmem:v2+s21+$0x0] =	vst.idx.add.f32.msk $0xffff, v1  }
0xb8: {  	v2 =	vld [tilespmem:$0x14630];
	_ =	sdelay $0x7  }
0xb9: {  	[tilespmem:v2+s21+$0x0] =	vst.idx.add.f32.msk $0xffff, v1  }
0xba: {  	v2 =	vld [tilespmem:$0x14640];
	_ =	sdelay $0x7  }
0xbb: {  	[tilespmem:v2+s21+$0x0] =	vst.idx.add.f32.msk $0xffff, v1  }
0xbc: {  	v2 =	vld [tilespmem:$0x14650];
	_ =	sdelay $0x7  }
0xbd: {  	[tilespmem:v2+s21+$0x0] =	vst.idx.add.f32.msk $0xffff, v1  }
0xbe: {  	v2 =	vld [tilespmem:$0x14660];
	_ =	sdelay $0x7  }
0xbf: {  	[tilespmem:v2+s21+$0x0] =	vst.idx.add.f32.msk $0xffff, v1  }
0xc0: {  	v2 =	vld [tilespmem:$0x14670];
	_ =	sdelay $0x7  }
0xc1: {  	[tilespmem:v2+s21+$0x0] =	vst.idx.add.f32.msk $0xffff, v1  }
0xc2: {  	_ =	swait.ge [sflag:s22], $0x2000  }
0xc3: {  	[sflag:s22] =	ssyncset.done $0x0  }
0xc4: {  	s12 =	rddreg [dreg:$0x12];
	[sflag:s22] =	ssyncadd.s32 $0xFFFFE000  }
0xc5: {  	[tilespmem:s16], [sflag:$0x1] =	stream.indirect.gather [spmem:s2], $0x40, s12, s15, $0xb8;
	[tilespmem:$0x1F380] =	vst v63  }
0xc6: {  	_ =	swait.ge [sflag:s23], $0x2000  }
0xc7: {  	[sflag:s23] =	ssyncset.done $0x0  }
0xc8: {  	s12 =	rddreg [dreg:$0x13];
	[sflag:s23] =	ssyncadd.s32 $0xFFFFE000  }
0xc9: {  	[spmem:s3] =	stream.indirect.scatter.add.f32 [tilespmem:s17], [sflag:$0x6], $0x40, s12, s15, $0xb8;
	[tilespmem:$0x1F380] =	vst v63  }
0xca: {  	v2 =	vld [tilespmem:$0x14680];
	_ =	sdelay $0x7  }
0xcb: {  	[tilespmem:v2+s21+$0x0] =	vst.idx.add.f32.msk $0xffff, v1  }
0xcc: {  	v2 =	vld [tilespmem:$0x14690];
	_ =	sdelay $0x7  }
0xcd: {  	[tilespmem:v2+s21+$0x0] =	vst.idx.add.f32.msk $0xffff, v1  }
0xce: {  	v2 =	vld [tilespmem:$0x146A0];
	_ =	sdelay $0x7  }
0xcf: {  	[tilespmem:v2+s21+$0x0] =	vst.idx.add.f32.msk $0xffff, v1  }
0xd0: {  	v2 =	vld [tilespmem:$0x146B0];
	_ =	sdelay $0x7  }
0xd1: {  	[tilespmem:v2+s21+$0x0] =	vst.idx.add.f32.msk $0xffff, v1  }
0xd2: {  	v2 =	vld [tilespmem:$0x146C0];
	_ =	sdelay $0x7  }
0xd3: {  	[tilespmem:v2+s21+$0x0] =	vst.idx.add.f32.msk $0xffff, v1  }
0xd4: {  	v2 =	vld [tilespmem:$0x146D0];
	_ =	sdelay $0x7  }
0xd5: {  	[tilespmem:v2+s21+$0x0] =	vst.idx.add.f32.msk $0xffff, v1  }
0xd6: {  	v2 =	vld [tilespmem:$0x146E0];
	_ =	sdelay $0x7  }
0xd7: {  	[tilespmem:v2+s21+$0x0] =	vst.idx.add.f32.msk $0xffff, v1  }
0xd8: {  	v2 =	vld [tilespmem:$0x146F0];
	_ =	sdelay $0x7  }
0xd9: {  	[tilespmem:v2+s21+$0x0] =	vst.idx.add.f32.msk $0xffff, v1  }
0xda: {  	_ =	swait.ge [sflag:s25], $0x2000  }
0xdb: {  	[sflag:s25] =	ssyncset.done $0x0  }
0xdc: {  	s12 =	rddreg [dreg:$0x14];
	[sflag:s25] =	ssyncadd.s32 $0xFFFFE000  }
0xdd: {  	[tilespmem:s17], [sflag:$0x2] =	stream.indirect.gather [spmem:s2], $0x40, s12, s15, $0xb8;
	[tilespmem:$0x1F380] =	vst v63  }
0xde: {  	_ =	swait.ge [sflag:s26], $0x2000  }
0xdf: {  	[sflag:s26] =	ssyncset.done $0x0  }
0xe0: {  	s12 =	rddreg [dreg:$0x15];
	[sflag:s26] =	ssyncadd.s32 $0xFFFFE000  }
0xe1: {  	[spmem:s3] =	stream.indirect.scatter.add.f32 [tilespmem:s18], [sflag:$0x7], $0x40, s12, s15, $0xb8;
	[tilespmem:$0x1F380] =	vst v63  }
0xe2: {  	v2 =	vld [tilespmem:$0x14700];
	_ =	sdelay $0x7  }
0xe3: {  	[tilespmem:v2+s21+$0x0] =	vst.idx.add.f32.msk $0xffff, v1  }
0xe4: {  	v2 =	vld [tilespmem:$0x14710];
	_ =	sdelay $0x7  }
0xe5: {  	[tilespmem:v2+s21+$0x0] =	vst.idx.add.f32.msk $0xffff, v1  }
0xe6: {  	v2 =	vld [tilespmem:$0x14720];
	_ =	sdelay $0x7  }
0xe7: {  	[tilespmem:v2+s21+$0x0] =	vst.idx.add.f32.msk $0xffff, v1  }
0xe8: {  	v2 =	vld [tilespmem:$0x14730];
	_ =	sdelay $0x7  }
0xe9: {  	[tilespmem:v2+s21+$0x0] =	vst.idx.add.f32.msk $0xffff, v1  }
0xea: {  	v2 =	vld [tilespmem:$0x14740];
	_ =	sdelay $0x7  }
0xeb: {  	[tilespmem:v2+s21+$0x0] =	vst.idx.add.f32.msk $0xffff, v1  }
0xec: {  	v2 =	vld [tilespmem:$0x14750];
	_ =	sdelay $0x7  }
0xed: {  	[tilespmem:v2+s21+$0x0] =	vst.idx.add.f32.msk $0xffff, v1  }
0xee: {  	v2 =	vld [tilespmem:$0x14760];
	_ =	sdelay $0x7  }
0xef: {  	[tilespmem:v2+s21+$0x0] =	vst.idx.add.f32.msk $0xffff, v1  }
0xf0: {  	v2 =	vld [tilespmem:$0x14770];
	_ =	sdelay $0x7  }
0xf1: {  	[tilespmem:v2+s21+$0x0] =	vst.idx.add.f32.msk $0xffff, v1  }
0xf2: {  	_ =	swait.ge [sflag:s28], $0x2000  }
0xf3: {  	[sflag:s28] =	ssyncset.done $0x0  }
0xf4: {  	s12 =	rddreg [dreg:$0x16];
	[sflag:s28] =	ssyncadd.s32 $0xFFFFE000  }
0xf5: {  	[tilespmem:s18], [sflag:$0x3] =	stream.indirect.gather [spmem:s2], $0x40, s12, s15, $0xb8;
	[tilespmem:$0x1F380] =	vst v63  }
0xf6: {  	_ =	swait.ge [sflag:s29], $0x2000  }
0xf7: {  	[sflag:s29] =	ssyncset.done $0x0  }
0xf8: {  	s12 =	rddreg [dreg:$0x17];
	[sflag:s29] =	ssyncadd.s32 $0xFFFFE000  }
0xf9: {  	[spmem:s3] =	stream.indirect.scatter.add.f32 [tilespmem:s19], [sflag:$0x8], $0x40, s12, s15, $0xb8;
	[tilespmem:$0x1F380] =	vst v63  }
0xfa: {  	v2 =	vld [tilespmem:$0x14780];
	_ =	sdelay $0x7  }
0xfb: {  	[tilespmem:v2+s21+$0x0] =	vst.idx.add.f32.msk $0xffff, v1  }
0xfc: {  	v2 =	vld [tilespmem:$0x14790];
	_ =	sdelay $0x7  }
0xfd: {  	[tilespmem:v2+s21+$0x0] =	vst.idx.add.f32.msk $0xffff, v1  }
0xfe: {  	v2 =	vld [tilespmem:$0x147A0];
	_ =	sdelay $0x7  }
0xff: {  	[tilespmem:v2+s21+$0x0] =	vst.idx.add.f32.msk $0xffff, v1  }
0x100: {  	v2 =	vld [tilespmem:$0x147B0];
	_ =	sdelay $0x7  }
0x101: {  	[tilespmem:v2+s21+$0x0] =	vst.idx.add.f32.msk $0xffff, v1  }
0x102: {  	v2 =	vld [tilespmem:$0x147C0];
	_ =	sdelay $0x7  }
0x103: {  	[tilespmem:v2+s21+$0x0] =	vst.idx.add.f32.msk $0xffff, v1  }
0x104: {  	v2 =	vld [tilespmem:$0x147D0];
	_ =	sdelay $0x7  }
0x105: {  	[tilespmem:v2+s21+$0x0] =	vst.idx.add.f32.msk $0xffff, v1  }
0x106: {  	v2 =	vld [tilespmem:$0x147E0];
	_ =	sdelay $0x7  }
0x107: {  	[tilespmem:v2+s21+$0x0] =	vst.idx.add.f32.msk $0xffff, v1  }
0x108: {  	v2 =	vld [tilespmem:$0x147F0];
	_ =	sdelay $0x7  }
0x109: {  	[tilespmem:v2+s21+$0x0] =	vst.idx.add.f32.msk $0xffff, v1  }
0x10a: {  	_ =	swait.ge [sflag:s30], $0x2000  }
0x10b: {  	[sflag:s30] =	ssyncset.done $0x0  }
0x10c: {  	s12 =	rddreg [dreg:$0x18];
	[sflag:s30] =	ssyncadd.s32 $0xFFFFE000  }
0x10d: {  	[tilespmem:s19], [sflag:$0x4] =	stream.indirect.gather [spmem:s2], $0x40, s12, s15, $0xb8;
	[tilespmem:$0x1F380] =	vst v63  }
0x10e: {  	_ =	swait.ge [sflag:s20], $0x2000  }
0x10f: {  	[sflag:s20] =	ssyncset.done $0x0  }
0x110: {  	s12 =	rddreg [dreg:$0x19];
	[sflag:s20] =	ssyncadd.s32 $0xFFFFE000  }
0x111: {  	[spmem:s3] =	stream.indirect.scatter.add.f32 [tilespmem:s16], [sflag:$0x5], $0x40, s12, s15, $0xb8;
	[tilespmem:$0x1F380] =	vst v63  }
0x112: {  	v2 =	vld [tilespmem:$0x14800];
	_ =	sdelay $0x7  }
0x113: {  	[tilespmem:v2+s21+$0x0] =	vst.idx.add.f32.msk $0xffff, v1  }
0x114: {  	v2 =	vld [tilespmem:$0x14810];
	_ =	sdelay $0x7  }
0x115: {  	[tilespmem:v2+s21+$0x0] =	vst.idx.add.f32.msk $0xffff, v1  }
0x116: {  	v2 =	vld [tilespmem:$0x14820];
	_ =	sdelay $0x7  }
0x117: {  	[tilespmem:v2+s21+$0x0] =	vst.idx.add.f32.msk $0xffff, v1  }
0x118: {  	v2 =	vld [tilespmem:$0x14830];
	_ =	sdelay $0x7  }
0x119: {  	[tilespmem:v2+s21+$0x0] =	vst.idx.add.f32.msk $0xffff, v1  }
0x11a: {  	v2 =	vld [tilespmem:$0x14840];
	_ =	sdelay $0x7  }
0x11b: {  	[tilespmem:v2+s21+$0x0] =	vst.idx.add.f32.msk $0xffff, v1  }
0x11c: {  	v2 =	vld [tilespmem:$0x14850];
	_ =	sdelay $0x7  }
0x11d: {  	[tilespmem:v2+s21+$0x0] =	vst.idx.add.f32.msk $0xffff, v1  }
0x11e: {  	v2 =	vld [tilespmem:$0x14860];
	_ =	sdelay $0x7  }
0x11f: {  	[tilespmem:v2+s21+$0x0] =	vst.idx.add.f32.msk $0xffff, v1  }
0x120: {  	v2 =	vld [tilespmem:$0x14870];
	_ =	sdelay $0x7  }
0x121: {  	[tilespmem:v2+s21+$0x0] =	vst.idx.add.f32.msk $0xffff, v1  }
0x122: {  	_ =	swait.ge [sflag:s22], $0x2000  }
0x123: {  	[sflag:s22] =	ssyncset.done $0x0  }
0x124: {  	s12 =	rddreg [dreg:$0x1a];
	[sflag:s22] =	ssyncadd.s32 $0xFFFFE000  }
0x125: {  	[tilespmem:s16], [sflag:$0x1] =	stream.indirect.gather [spmem:s2], $0x40, s12, s15, $0xb8;
	[tilespmem:$0x1F380] =	vst v63  }
0x126: {  	_ =	swait.ge [sflag:s23], $0x2000  }
0x127: {  	[sflag:s23] =	ssyncset.done $0x0  }
0x128: {  	s12 =	rddreg [dreg:$0x1b];
	[sflag:s23] =	ssyncadd.s32 $0xFFFFE000  }
0x129: {  	[spmem:s3] =	stream.indirect.scatter.add.f32 [tilespmem:s17], [sflag:$0x6], $0x40, s12, s15, $0xb8;
	[tilespmem:$0x1F380] =	vst v63  }
0x12a: {  	v2 =	vld [tilespmem:$0x14880];
	_ =	sdelay $0x7  }
0x12b: {  	[tilespmem:v2+s21+$0x0] =	vst.idx.add.f32.msk $0xffff, v1  }
0x12c: {  	v2 =	vld [tilespmem:$0x14890];
	_ =	sdelay $0x7  }
0x12d: {  	[tilespmem:v2+s21+$0x0] =	vst.idx.add.f32.msk $0xffff, v1  }
0x12e: {  	v2 =	vld [tilespmem:$0x148A0];
	_ =	sdelay $0x7  }
0x12f: {  	[tilespmem:v2+s21+$0x0] =	vst.idx.add.f32.msk $0xffff, v1  }
0x130: {  	v2 =	vld [tilespmem:$0x148B0];
	_ =	sdelay $0x7  }
0x131: {  	[tilespmem:v2+s21+$0x0] =	vst.idx.add.f32.msk $0xffff, v1  }
0x132: {  	v2 =	vld [tilespmem:$0x148C0];
	_ =	sdelay $0x7  }
0x133: {  	[tilespmem:v2+s21+$0x0] =	vst.idx.add.f32.msk $0xffff, v1  }
0x134: {  	v2 =	vld [tilespmem:$0x148D0];
	_ =	sdelay $0x7  }
0x135: {  	[tilespmem:v2+s21+$0x0] =	vst.idx.add.f32.msk $0xffff, v1  }
0x136: {  	v2 =	vld [tilespmem:$0x148E0];
	_ =	sdelay $0x7  }
0x137: {  	[tilespmem:v2+s21+$0x0] =	vst.idx.add.f32.msk $0xffff, v1  }
0x138: {  	v2 =	vld [tilespmem:$0x148F0];
	_ =	sdelay $0x7  }
0x139: {  	[tilespmem:v2+s21+$0x0] =	vst.idx.add.f32.msk $0xffff, v1  }
0x13a: {  	_ =	swait.ge [sflag:s25], $0x2000  }
0x13b: {  	[sflag:s25] =	ssyncset.done $0x0  }
0x13c: {  	s12 =	rddreg [dreg:$0x1c];
	[sflag:s25] =	ssyncadd.s32 $0xFFFFE000  }
0x13d: {  	[tilespmem:s17], [sflag:$0x2] =	stream.indirect.gather [spmem:s2], $0x40, s12, s15, $0xb8;
	[tilespmem:$0x1F380] =	vst v63  }
0x13e: {  	_ =	swait.ge [sflag:s26], $0x2000  }
0x13f: {  	[sflag:s26] =	ssyncset.done $0x0  }
0x140: {  	s12 =	rddreg [dreg:$0x1d];
	[sflag:s26] =	ssyncadd.s32 $0xFFFFE000  }
0x141: {  	[spmem:s3] =	stream.indirect.scatter.add.f32 [tilespmem:s18], [sflag:$0x7], $0x40, s12, s15, $0xb8;
	[tilespmem:$0x1F380] =	vst v63  }
0x142: {  	v2 =	vld [tilespmem:$0x14900];
	_ =	sdelay $0x7  }
0x143: {  	[tilespmem:v2+s21+$0x0] =	vst.idx.add.f32.msk $0xffff, v1  }
0x144: {  	v2 =	vld [tilespmem:$0x14910];
	_ =	sdelay $0x7  }
0x145: {  	[tilespmem:v2+s21+$0x0] =	vst.idx.add.f32.msk $0xffff, v1  }
0x146: {  	v2 =	vld [tilespmem:$0x14920];
	_ =	sdelay $0x7  }
0x147: {  	[tilespmem:v2+s21+$0x0] =	vst.idx.add.f32.msk $0xffff, v1  }
0x148: {  	v2 =	vld [tilespmem:$0x14930];
	_ =	sdelay $0x7  }
0x149: {  	[tilespmem:v2+s21+$0x0] =	vst.idx.add.f32.msk $0xffff, v1  }
0x14a: {  	v2 =	vld [tilespmem:$0x14940];
	_ =	sdelay $0x7  }
0x14b: {  	[tilespmem:v2+s21+$0x0] =	vst.idx.add.f32.msk $0xffff, v1  }
0x14c: {  	v2 =	vld [tilespmem:$0x14950];
	_ =	sdelay $0x7  }
0x14d: {  	[tilespmem:v2+s21+$0x0] =	vst.idx.add.f32.msk $0xffff, v1  }
0x14e: {  	v2 =	vld [tilespmem:$0x14960];
	_ =	sdelay $0x7  }
0x14f: {  	[tilespmem:v2+s21+$0x0] =	vst.idx.add.f32.msk $0xffff, v1  }
0x150: {  	v2 =	vld [tilespmem:$0x14970];
	_ =	sdelay $0x7  }
0x151: {  	[tilespmem:v2+s21+$0x0] =	vst.idx.add.f32.msk $0xffff, v1  }
0x152: {  	_ =	swait.ge [sflag:s28], $0x2000  }
0x153: {  	[sflag:s28] =	ssyncset.done $0x0  }
0x154: {  	[sflag:s28] =	ssyncadd.s32 $0xFFFFE000  }
0x155: {  	[tilespmem:s18], [sflag:$0x3] =	stream.indirect.gather [spmem:s2], $0x40, s31, s15, $0xb8;
	[tilespmem:$0x1F380] =	vst v63  }
0x156: {  	_ =	swait.ge [sflag:s29], $0x2000  }
0x157: {  	[sflag:s29] =	ssyncset.done $0x0  }
0x158: {  	[sflag:s29] =	ssyncadd.s32 $0xFFFFE000  }
0x159: {  	[spmem:s3] =	stream.indirect.scatter.add.f32 [tilespmem:s19], [sflag:$0x8], $0x40, s0, s15, $0xb8;
	[tilespmem:$0x1F380] =	vst v63  }
0x15a: {  	v2 =	vld [tilespmem:$0x14980];
	_ =	sdelay $0x7  }
0x15b: {  	[tilespmem:v2+s21+$0x0] =	vst.idx.add.f32.msk $0xffff, v1  }
0x15c: {  	v2 =	vld [tilespmem:$0x14990];
	_ =	sdelay $0x7  }
0x15d: {  	[tilespmem:v2+s21+$0x0] =	vst.idx.add.f32.msk $0xffff, v1  }
0x15e: {  	v2 =	vld [tilespmem:$0x149A0];
	_ =	sdelay $0x7  }
0x15f: {  	[tilespmem:v2+s21+$0x0] =	vst.idx.add.f32.msk $0xffff, v1  }
0x160: {  	v2 =	vld [tilespmem:$0x149B0];
	_ =	sdelay $0x7  }
0x161: {  	[tilespmem:v2+s21+$0x0] =	vst.idx.add.f32.msk $0xffff, v1  }
0x162: {  	v2 =	vld [tilespmem:$0x149C0];
	_ =	sdelay $0x7  }
0x163: {  	[tilespmem:v2+s21+$0x0] =	vst.idx.add.f32.msk $0xffff, v1  }
0x164: {  	v2 =	vld [tilespmem:$0x149D0];
	_ =	sdelay $0x7  }
0x165: {  	[tilespmem:v2+s21+$0x0] =	vst.idx.add.f32.msk $0xffff, v1  }
0x166: {  	v2 =	vld [tilespmem:$0x149E0];
	_ =	sdelay $0x7  }
0x167: {  	[tilespmem:v2+s21+$0x0] =	vst.idx.add.f32.msk $0xffff, v1  }
0x168: {  	v2 =	vld [tilespmem:$0x149F0];
	_ =	sdelay $0x7  }
0x169: {  	[tilespmem:v2+s21+$0x0] =	vst.idx.add.f32.msk $0xffff, v1  }
0x16a: {  	_ =	swait.ge [sflag:s30], $0x2000  }
0x16b: {  	[sflag:s30] =	ssyncset.done $0x0  }
0x16c: {  	[sflag:s30] =	ssyncadd.s32 $0xFFFFE000  }
0x16d: {  	[tilespmem:s19], [sflag:$0x4] =	stream.indirect.gather [spmem:s2], $0x40, s1, s15, $0xb8;
	[tilespmem:$0x1F380] =	vst v63  }
0x16e: {  	_ =	swait.ge [sflag:s20], $0x2000  }
0x16f: {  	[sflag:s20] =	ssyncset.done $0x0  }
0x170: {  	[sflag:s20] =	ssyncadd.s32 $0xFFFFE000  }
0x171: {  	[spmem:s3] =	stream.indirect.scatter.add.f32 [tilespmem:s16], [sflag:$0x5], $0x40, s5, s15, $0xb8;
	[tilespmem:$0x1F380] =	vst v63  }
0x172: {  	v2 =	vld [tilespmem:$0x14A00];
	_ =	sdelay $0x7  }
0x173: {  	[tilespmem:v2+s21+$0x0] =	vst.idx.add.f32.msk $0xffff, v1  }
0x174: {  	v2 =	vld [tilespmem:$0x14A10];
	_ =	sdelay $0x7  }
0x175: {  	[tilespmem:v2+s21+$0x0] =	vst.idx.add.f32.msk $0xffff, v1  }
0x176: {  	v2 =	vld [tilespmem:$0x14A20];
	_ =	sdelay $0x7  }
0x177: {  	[tilespmem:v2+s21+$0x0] =	vst.idx.add.f32.msk $0xffff, v1  }
0x178: {  	v2 =	vld [tilespmem:$0x14A30];
	_ =	sdelay $0x7  }
0x179: {  	[tilespmem:v2+s21+$0x0] =	vst.idx.add.f32.msk $0xffff, v1  }
0x17a: {  	v2 =	vld [tilespmem:$0x14A40];
	_ =	sdelay $0x7  }
0x17b: {  	[tilespmem:v2+s21+$0x0] =	vst.idx.add.f32.msk $0xffff, v1  }
0x17c: {  	v2 =	vld [tilespmem:$0x14A50];
	_ =	sdelay $0x7  }
0x17d: {  	[tilespmem:v2+s21+$0x0] =	vst.idx.add.f32.msk $0xffff, v1  }
0x17e: {  	v2 =	vld [tilespmem:$0x14A60];
	_ =	sdelay $0x7  }
0x17f: {  	[tilespmem:v2+s21+$0x0] =	vst.idx.add.f32.msk $0xffff, v1  }
0x180: {  	v2 =	vld [tilespmem:$0x14A70];
	_ =	sdelay $0x7  }
0x181: {  	[tilespmem:v2+s21+$0x0] =	vst.idx.add.f32.msk $0xffff, v1  }
0x182: {  	_ =	swait.ge [sflag:s23], $0x2000  }
0x183: {  	[sflag:s23] =	ssyncset.done $0x0  }
0x184: {  	[sflag:s23] =	ssyncadd.s32 $0xFFFFE000  }
0x185: {  	[spmem:s3] =	stream.indirect.scatter.add.f32 [tilespmem:s17], [sflag:$0x6], $0x40, s7, s15, $0xb8;
	[tilespmem:$0x1F380] =	vst v63  }
0x186: {  	v2 =	vld [tilespmem:$0x14A80];
	_ =	sdelay $0x7  }
0x187: {  	[tilespmem:v2+s21+$0x0] =	vst.idx.add.f32.msk $0xffff, v1  }
0x188: {  	v2 =	vld [tilespmem:$0x14A90];
	_ =	sdelay $0x7  }
0x189: {  	[tilespmem:v2+s21+$0x0] =	vst.idx.add.f32.msk $0xffff, v1  }
0x18a: {  	v2 =	vld [tilespmem:$0x14AA0];
	_ =	sdelay $0x7  }
0x18b: {  	[tilespmem:v2+s21+$0x0] =	vst.idx.add.f32.msk $0xffff, v1  }
0x18c: {  	v2 =	vld [tilespmem:$0x14AB0];
	_ =	sdelay $0x7  }
0x18d: {  	[tilespmem:v2+s21+$0x0] =	vst.idx.add.f32.msk $0xffff, v1  }
0x18e: {  	v2 =	vld [tilespmem:$0x14AC0];
	_ =	sdelay $0x7  }
0x18f: {  	[tilespmem:v2+s21+$0x0] =	vst.idx.add.f32.msk $0xffff, v1  }
0x190: {  	v2 =	vld [tilespmem:$0x14AD0];
	_ =	sdelay $0x7  }
0x191: {  	[tilespmem:v2+s21+$0x0] =	vst.idx.add.f32.msk $0xffff, v1  }
0x192: {  	v2 =	vld [tilespmem:$0x14AE0];
	_ =	sdelay $0x7  }
0x193: {  	[tilespmem:v2+s21+$0x0] =	vst.idx.add.f32.msk $0xffff, v1  }
0x194: {  	v2 =	vld [tilespmem:$0x14AF0];
	_ =	sdelay $0x7  }
0x195: {  	[tilespmem:v2+s21+$0x0] =	vst.idx.add.f32.msk $0xffff, v1  }
0x196: {  	_ =	swait.ge [sflag:s26], $0x2000  }
0x197: {  	[sflag:s26] =	ssyncset.done $0x0  }
0x198: {  	[sflag:s26] =	ssyncadd.s32 $0xFFFFE000  }
0x199: {  	[spmem:s3] =	stream.indirect.scatter.add.f32 [tilespmem:s18], [sflag:$0x7], $0x40, s8, s15, $0xb8;
	[tilespmem:$0x1F380] =	vst v63  }
0x19a: {  	v2 =	vld [tilespmem:$0x14B00];
	_ =	sdelay $0x7  }
0x19b: {  	[tilespmem:v2+s21+$0x0] =	vst.idx.add.f32.msk $0xffff, v1  }
0x19c: {  	v2 =	vld [tilespmem:$0x14B10];
	_ =	sdelay $0x7  }
0x19d: {  	[tilespmem:v2+s21+$0x0] =	vst.idx.add.f32.msk $0xffff, v1  }
0x19e: {  	v2 =	vld [tilespmem:$0x14B20];
	_ =	sdelay $0x7  }
0x19f: {  	[tilespmem:v2+s21+$0x0] =	vst.idx.add.f32.msk $0xffff, v1  }
0x1a0: {  	v2 =	vld [tilespmem:$0x14B30];
	_ =	sdelay $0x7  }
0x1a1: {  	[tilespmem:v2+s21+$0x0] =	vst.idx.add.f32.msk $0xffff, v1  }
0x1a2: {  	v2 =	vld [tilespmem:$0x14B40];
	_ =	sdelay $0x7  }
0x1a3: {  	[tilespmem:v2+s21+$0x0] =	vst.idx.add.f32.msk $0xffff, v1  }
0x1a4: {  	v2 =	vld [tilespmem:$0x14B50];
	_ =	sdelay $0x7  }
0x1a5: {  	[tilespmem:v2+s21+$0x0] =	vst.idx.add.f32.msk $0xffff, v1  }
0x1a6: {  	v2 =	vld [tilespmem:$0x14B60];
	_ =	sdelay $0x7  }
0x1a7: {  	[tilespmem:v2+s21+$0x0] =	vst.idx.add.f32.msk $0xffff, v1  }
0x1a8: {  	v2 =	vld [tilespmem:$0x14B70];
	_ =	sdelay $0x7  }
0x1a9: {  	[tilespmem:v2+s21+$0x0] =	vst.idx.add.f32.msk $0xffff, v1  }
0x1aa: {  	_ =	swait.ge [sflag:s29], $0x2000  }
0x1ab: {  	[sflag:s29] =	ssyncset.done $0x0  }
0x1ac: {  	[sflag:s29] =	ssyncadd.s32 $0xFFFFE000  }
0x1ad: {  	[spmem:s3] =	stream.indirect.scatter.add.f32 [tilespmem:s19], [sflag:$0x8], $0x40, s9, s15, $0xb8;
	[tilespmem:$0x1F380] =	vst v63  }
0x1ae: {  	v2 =	vld [tilespmem:$0x14B80];
	_ =	sdelay $0x7  }
0x1af: {  	[tilespmem:v2+s21+$0x0] =	vst.idx.add.f32.msk $0xffff, v1  }
0x1b0: {  	v2 =	vld [tilespmem:$0x14B90];
	_ =	sdelay $0x7  }
0x1b1: {  	[tilespmem:v2+s21+$0x0] =	vst.idx.add.f32.msk $0xffff, v1  }
0x1b2: {  	v2 =	vld [tilespmem:$0x14BA0];
	_ =	sdelay $0x7  }
0x1b3: {  	[tilespmem:v2+s21+$0x0] =	vst.idx.add.f32.msk $0xffff, v1  }
0x1b4: {  	v2 =	vld [tilespmem:$0x14BB0];
	_ =	sdelay $0x7  }
0x1b5: {  	[tilespmem:v2+s21+$0x0] =	vst.idx.add.f32.msk $0xffff, v1  }
0x1b6: {  	v2 =	vld [tilespmem:$0x14BC0];
	_ =	sdelay $0x7  }
0x1b7: {  	[tilespmem:v2+s21+$0x0] =	vst.idx.add.f32.msk $0xffff, v1  }
0x1b8: {  	v2 =	vld [tilespmem:$0x14BD0];
	_ =	sdelay $0x7  }
0x1b9: {  	[tilespmem:v2+s21+$0x0] =	vst.idx.add.f32.msk $0xffff, v1  }
0x1ba: {  	v2 =	vld [tilespmem:$0x14BE0];
	_ =	sdelay $0x7  }
0x1bb: {  	[tilespmem:v2+s21+$0x0] =	vst.idx.add.f32.msk $0xffff, v1  }
0x1bc: {  	v2 =	vld [tilespmem:$0x14BF0];
	_ =	sdelay $0x7  }
0x1bd: {  	[tilespmem:v2+s21+$0x0] =	vst.idx.add.f32.msk $0xffff, v1  }
0x1be: {  	_ =	swait.ge [sflag:s22], $0x2000  }
0x1bf: {  	[sflag:s22] =	ssyncset.done $0x0  }
0x1c0: {  	[sflag:s22] =	ssyncadd.s32 $0xFFFFE000  }
0x1c1: {  	_ =	swait.ge [sflag:s25], $0x2000  }
0x1c2: {  	[sflag:s25] =	ssyncset.done $0x0  }
0x1c3: {  	[sflag:s25] =	ssyncadd.s32 $0xFFFFE000  }
0x1c4: {  	p0 =	sne.s32 s24, $0x900;
	_ =	swait.ge [sflag:s28], $0x2000  }
.Ltmp1:
0x1c5: {  	[sflag:s28] =	ssyncset.done $0x0;
	(pc) =	sbr.rel @p0 .LBB2_4-.Ltmp1, $4  }
0x1c6: {  	[sflag:s28] =	ssyncadd.s32 $0xFFFFE000  }
0x1c7: {  	_ =	swait.ge [sflag:s30], $0x2000  }
0x1c8: {  	[sflag:s30] =	ssyncset.done $0x0  }
0x1c9: {  	s24 =	sadd.s32 $0x100, s24;
	[sflag:s30] =	ssyncadd.s32 $0xFFFFE000  }
0x1ca: {  	[bflag:$0x0] =	sbarrier.arrive $0xFFFF  }
0x1cb: {  	s12 =	sld [smem:$0x7FD]  }
0x1cc: {  	s6 =	sld [smem:$0x7FC];
	_ =	sdelay $0x1  }
0x1cd: {  	s24 =	rddreg [dreg:$0x1f]  }
0x1ce: {  	[hbm:s6], [sflag:s24] =	dma.local [spmem:s12], $0x13C0  }
0x1cf: {  	_ =	swait.ge [sflag:s11], $0x13C0  }
0x1d0: {  	s31 =	sld [smem:$0x7F9]  }
0x1d1: {  	[sflag:s11] =	ssyncset.done $0x0  }
0x1d2: {  	[sflag:s11] =	ssyncadd.s32 $0xFFFFEC40  }
0x1d3: {  	[hbm4b:s31+s4] =	stream.linear.scatter [tilespmem:s21], [sflag:$0x9], $0x2780, $0x38;
	[tilespmem:$0x1F380] =	vst v63  }
0x1d4: {  	_ =	swait.ge [sflag:s11], $0x2780  }
0x1d5: {  	s31 =	sld [smem:$0x7FA];
	_ =	sdelay $0x1  }
0x1d6: {  	s10 =	sadd.s32 $0x1, s10  }
0x1d7: {  	p0 =	sne.s32 s10, s31  }
.Ltmp2:
0x1d8: {  	_ = 	snop;
	(pc) =	sbr.rel @p0 .LBB2_1-.Ltmp2, $3  }
0x1d9: {  	_ =	sdelay $0x1  }
0x1da: {  	[sflag:s11] =	ssyncset.done $0x0  }
0x1db: {  	[sflag:s11] =	ssyncadd.s32 $0xFFFFD880  }
0x1dc: {  	_ =	sfence.sel $0x180000  }
0x1dd: {  	[bflag:$0x0] =	sbarrier.arrive $0xFFFF  }
0x1de: {  	_ =	strace $0x90000047  }
0x1df: {  	s0 =	stileid.u32;
	[bflag:$0x2] =	sbarrier.arrive $0xFFFF  }
0x1e0: {  	p0 =	sne.s32 s0, $0x0;
	s0 =	rddreg [dreg:$0x4]  }
0x1e1: {  	s0 =	sadd.s32 @!p0 $0x100000, s0  }
0x1e2: {  	[sflag:s0] =	ssyncadd.tile.s32 @!p0 $0x1;
	_ =	shalt  }
.Lfunc_end2:
_tile_overlayer_lowered:
.L_overlay_start_2:
0x1e3: {  	(tag) =	ssettag $0x2  }
0x1e4: {  	s0 =	rddreg [dreg:$0x0];
	s2 =	stileid.u32  }
0x1e5: {  	s1 =	rddreg [dreg:$0x1];
	p0 =	sne.s32 s2, $0x0  }
0x1e6: {  	s3 =	rddreg [dreg:$0x2];
	[bflag:$0x3] =	sbarrier.arrive $0xFFFF;
	s2 =	simm.s32 @!p0 $0x1C09  }
0x1e7: {  	[timem:s3], [sflag:s2] =	dma.local @!p0 [hbm:s0], s1  }
0x1e8: {  	s0 =	simm.s32 @!p0 $0x9  }
0x1e9: {  	_ =	swait.ge @!p0 [sflag:s0], s1  }
0x1ea: {  	s1 =	ssub.s32 @!p0 $0x0, s1;
	[sflag:s0] =	ssyncset.done @!p0 $0x0  }
0x1eb: {  	[sflag:s0] =	ssyncadd.s32 @!p0 s1  }
0x1ec: {  	[bflag:$0x3] =	sbarrier.arrive $0xFFFF  }
0x1ed: {  	_ =	shalt  }

</sc_bundles>
